<compile_context>
chip_gen: v7x
topology: tpu7x:2x2x1
jax: 0.10.2.dev20260603
libtpu: 0.0.44.dev20260713+nightly
codegen_flags: <defaults>
</compile_context>

<pallas_src>
import functools

import jax
import jax.numpy as jnp
from jax import lax
from jax.experimental import pallas as pl
from jax.experimental.pallas import tpu as pltpu
from jax.experimental.pallas import tpu_sc as plsc

_BLOCK_N = 4000

_NC = 2
_NS = 16
_NW = _NC * _NS
_L = 16
_CHUNK = 16000


def _ew_kernel(theta_mu_ref, log_theta_s_ref, eps_theta_ref,
               z_w_ref, z_b_ref, log_z_s_ref, eps_z_ref, out_ref):
    theta = theta_mu_ref[:] + jnp.exp(log_theta_s_ref[:]) * eps_theta_ref[:]
    out_ref[:] = (z_w_ref[:] * theta + z_b_ref[:]
                  + jnp.exp(log_z_s_ref[:]) * eps_z_ref[:])


def _tc_kernel(theta_mu, log_theta_s, z_w, z_b, log_z_s, eps_theta, eps_z):
    n, j = z_w.shape
    block_n = _BLOCK_N if n % _BLOCK_N == 0 else n
    grid = (n // block_n,)

    small = pl.BlockSpec((1, j), lambda i: (0, 0))
    big = pl.BlockSpec((block_n, j), lambda i: (i, 0))

    return pl.pallas_call(
        _ew_kernel,
        grid=grid,
        in_specs=[small, small, small, big, big, big, big],
        out_specs=big,
        out_shape=jax.ShapeDtypeStruct((n, j), z_w.dtype),
    )(theta_mu.reshape(1, j), log_theta_s.reshape(1, j),
      eps_theta.reshape(1, j), z_w, z_b, log_z_s, eps_z)


def _make_sc_kernel(total_words, j, chunk):
    w_per_worker = total_words // _NW
    n_chunks = w_per_worker // chunk
    rows_per_chunk = chunk // j
    j_vregs = j // _L
    mesh = plsc.VectorSubcoreMesh(core_axis_name="c", subcore_axis_name="s")

    @functools.partial(
        pl.kernel,
        mesh=mesh,
        out_type=jax.ShapeDtypeStruct((total_words,), jnp.float32),
        scratch_types=[
            pltpu.VMEM((j,), jnp.float32),
            pltpu.VMEM((j,), jnp.float32),
            pltpu.VMEM((j,), jnp.float32),
            pltpu.VMEM((chunk,), jnp.float32),
            pltpu.VMEM((chunk,), jnp.float32),
            pltpu.VMEM((chunk,), jnp.float32),
            pltpu.VMEM((chunk,), jnp.float32),
        ],
    )
    def sc_k(tmu_hbm, lts_hbm, ept_hbm, zw_hbm, zb_hbm, ls_hbm, ez_hbm,
             out_hbm, tmu_v, lts_v, ept_v, zw_v, zb_v, ls_v, ez_v):
        wid = lax.axis_index("s") * _NC + lax.axis_index("c")
        base = wid * w_per_worker

        pltpu.sync_copy(tmu_hbm, tmu_v)
        pltpu.sync_copy(lts_hbm, lts_v)
        pltpu.sync_copy(ept_hbm, ept_v)
        thetas = [
            tmu_v[pl.ds(v * _L, _L)]
            + jnp.exp(lts_v[pl.ds(v * _L, _L)]) * ept_v[pl.ds(v * _L, _L)]
            for v in range(j_vregs)
        ]

        def chunk_body(k, _):
            off = base + k * chunk
            pltpu.sync_copy(zw_hbm.at[pl.ds(off, chunk)], zw_v)
            pltpu.sync_copy(zb_hbm.at[pl.ds(off, chunk)], zb_v)
            pltpu.sync_copy(ls_hbm.at[pl.ds(off, chunk)], ls_v)
            pltpu.sync_copy(ez_hbm.at[pl.ds(off, chunk)], ez_v)

            def row_body(r, _):
                rb = r * j
                for v in range(j_vregs):
                    sl = pl.ds(rb + v * _L, _L)
                    ez_v[sl] = (zw_v[sl] * thetas[v] + zb_v[sl]
                                + jnp.exp(ls_v[sl]) * ez_v[sl])
                return 0

            lax.fori_loop(0, rows_per_chunk, row_body, 0)
            pltpu.sync_copy(ez_v, out_hbm.at[pl.ds(off, chunk)])
            return 0

        lax.fori_loop(0, n_chunks, chunk_body, 0)

    return sc_k


_SC_CHUNK = 16000
_N_SC = 20000
_TC_BLOCK = 4000


def _tc_tail(theta_mu, log_theta_s, eps_theta, z_w, z_b, log_z_s, eps_z,
             n_sc, block_n):
    n, j = z_w.shape
    n_tc = n - n_sc
    grid = (n_tc // block_n,)
    off = n_sc // block_n

    small = pl.BlockSpec((1, j), lambda i: (0, 0))
    big = pl.BlockSpec((block_n, j), lambda i: (i + off, 0))

    return pl.pallas_call(
        _ew_kernel,
        grid=grid,
        in_specs=[small, small, small, big, big, big, big],
        out_specs=big,
        out_shape=jax.ShapeDtypeStruct((n, j), z_w.dtype),
    )(theta_mu.reshape(1, j), log_theta_s.reshape(1, j),
      eps_theta.reshape(1, j), z_w, z_b, log_z_s, eps_z)


def kernel(theta_mu, log_theta_s, z_w, z_b, log_z_s, eps_theta, eps_z):
    n, j = z_w.shape
    n_sc = _N_SC
    sc_words = n_sc * j
    hybrid_ok = (
        n_sc < n
        and j % _L == 0
        and sc_words % (_NW * _SC_CHUNK) == 0
        and _SC_CHUNK % j == 0
        and (n - n_sc) % _TC_BLOCK == 0
        and n_sc % _TC_BLOCK == 0
    )
    if not hybrid_ok:
        return _tc_kernel(theta_mu, log_theta_s, z_w, z_b, log_z_s,
                          eps_theta, eps_z)

    sc_k = _make_sc_kernel(sc_words, j, _SC_CHUNK)
    sc_flat = sc_k(theta_mu, log_theta_s, eps_theta,
                   z_w.reshape(-1), z_b.reshape(-1),
                   log_z_s.reshape(-1), eps_z.reshape(-1))
    tc_full = _tc_tail(theta_mu, log_theta_s, eps_theta,
                       z_w, z_b, log_z_s, eps_z, n_sc, _TC_BLOCK)
    return jax.lax.dynamic_update_slice(
        tc_full, sc_flat.reshape(n_sc, j), (0, 0))

# --- scband reference (transcript-rebuilt; emitter-appended) ---
"""Pipeline reference for scband-q-34402688040989 (READ-ONLY COPY).

The authoritative reference and input builder live on the scoring server;
editing this copy changes nothing except your own understanding.
"""

import jax, jax.numpy as jnp
import numpy as np

# Module-level constants from the original (scaled to production size):
# original had J=10, N=10; scaled to N=100000 plate entries, J=128 latent dim.
N = 100000
J = 128


def setup_inputs(seed: int = 0) -> dict:
    key = jax.random.key(seed)
    ks = jax.random.split(key, 7)
    return {
        # learned parameters (nn.Parameter in the original, init'd to zeros;
        # we use small random values so the computation is non-degenerate)
        "theta_mu": jax.random.normal(ks[0], (J,), dtype=jnp.float32) * 0.1,
        "log_theta_s": jax.random.normal(ks[1], (J,), dtype=jnp.float32) * 0.1,
        "z_w": jax.random.normal(ks[2], (N, J), dtype=jnp.float32) * 0.1,
        "z_b": jax.random.normal(ks[3], (N, J), dtype=jnp.float32) * 0.1,
        "log_z_s": jax.random.normal(ks[4], (N, J), dtype=jnp.float32) * 0.1,
        # reparameterization noise standing in for the trace-driven sampling
        "eps_theta": jax.random.normal(ks[5], (J,), dtype=jnp.float32),
        "eps_z": jax.random.normal(ks[6], (N, J), dtype=jnp.float32),
    }


def reference(theta_mu, log_theta_s, z_w, z_b, log_z_s, eps_theta, eps_z):
    # tr['theta'] = Normal(theta_mu, exp(log_theta_s)) -> reparameterized sample
    theta = theta_mu + jnp.exp(log_theta_s) * eps_theta  # [J]
    # z_w[plate_1] etc. is a per-plate (identity over N) selection of rows;
    # tr['z'] = Normal(z_w * theta + z_b, exp(log_z_s)) -> reparameterized sample
    z_mean = z_w * theta[None, :] + z_b                  # [N, J]
    z = z_mean + jnp.exp(log_z_s) * eps_z                # [N, J]
    return z

if __name__ == "__main__":
    import jax
    _d = setup_inputs()
    print(jax.jit(kernel)(*tuple(_d.values())))

</pallas_src>

<mosaic_0001>
#map = affine_map<(d0, d1) -> (0)>
module attributes {stable_mosaic.version = 14 : i64} {
  func.func @sc_k(%arg0: i32, %arg1: i32, %arg2: memref<128xf32, #tpu.memory_space<hbm>>, %arg3: memref<128xf32, #tpu.memory_space<hbm>>, %arg4: memref<128xf32, #tpu.memory_space<hbm>>, %arg5: memref<12800000xf32, #tpu.memory_space<hbm>>, %arg6: memref<12800000xf32, #tpu.memory_space<hbm>>, %arg7: memref<12800000xf32, #tpu.memory_space<hbm>>, %arg8: memref<12800000xf32, #tpu.memory_space<hbm>>, %arg9: memref<2560000xf32, #tpu.memory_space<hbm>>, %arg10: memref<128xf32, #tpu.memory_space<vmem>>, %arg11: memref<128xf32, #tpu.memory_space<vmem>>, %arg12: memref<128xf32, #tpu.memory_space<vmem>>, %arg13: memref<16000xf32, #tpu.memory_space<vmem>>, %arg14: memref<16000xf32, #tpu.memory_space<vmem>>, %arg15: memref<16000xf32, #tpu.memory_space<vmem>>, %arg16: memref<16000xf32, #tpu.memory_space<vmem>>) attributes {dimension_semantics = [#tpu.dimension_semantics<core_parallel>, #tpu.dimension_semantics<subcore_parallel>], iteration_bounds = array<i64: 2, 16>, scalar_prefetch = 0 : i64, scratch_operands = 7 : i64, tpu.core_type = #tpu.core_type<sc_vector_subcore>, window_params = [{transform_indices = #map}, {transform_indices = #map}, {transform_indices = #map}, {transform_indices = #map}, {transform_indices = #map}, {transform_indices = #map}, {transform_indices = #map}, {transform_indices = #map}]} {
    %mul3A = arith.constant 2 : i32
    %mul3A_0 = arith.muli %arg1, %mul3A : i32
    %add3A = arith.addi %mul3A_0, %arg0 : i32
    %mul3A_1 = arith.constant 80000 : i32
    %mul3A_2 = arith.muli %add3A, %mul3A_1 : i32
    "tpu.region"() ({
      %run_scoped3A = tpu.sem_alloc : memref<!tpu.dma_semaphore, #tpu.memory_space<semaphore_mem>>
      tpu.enqueue_dma source(%arg2 : memref<128xf32, #tpu.memory_space<hbm>>) target(%arg10 : memref<128xf32, #tpu.memory_space<vmem>>) target_semaphore(%run_scoped3A : memref<!tpu.dma_semaphore, #tpu.memory_space<semaphore_mem>>)
      tpu.wait_dma2 semaphore(%run_scoped3A : memref<!tpu.dma_semaphore, #tpu.memory_space<semaphore_mem>>) src(%arg2 : memref<128xf32, #tpu.memory_space<hbm>>) dst(%arg10 : memref<128xf32, #tpu.memory_space<vmem>>)
      tpu.yield
    }) : () -> ()
    "tpu.region"() ({
      %run_scoped3A = tpu.sem_alloc : memref<!tpu.dma_semaphore, #tpu.memory_space<semaphore_mem>>
      tpu.enqueue_dma source(%arg3 : memref<128xf32, #tpu.memory_space<hbm>>) target(%arg11 : memref<128xf32, #tpu.memory_space<vmem>>) target_semaphore(%run_scoped3A : memref<!tpu.dma_semaphore, #tpu.memory_space<semaphore_mem>>)
      tpu.wait_dma2 semaphore(%run_scoped3A : memref<!tpu.dma_semaphore, #tpu.memory_space<semaphore_mem>>) src(%arg3 : memref<128xf32, #tpu.memory_space<hbm>>) dst(%arg11 : memref<128xf32, #tpu.memory_space<vmem>>)
      tpu.yield
    }) : () -> ()
    "tpu.region"() ({
      %run_scoped3A = tpu.sem_alloc : memref<!tpu.dma_semaphore, #tpu.memory_space<semaphore_mem>>
      tpu.enqueue_dma source(%arg4 : memref<128xf32, #tpu.memory_space<hbm>>) target(%arg12 : memref<128xf32, #tpu.memory_space<vmem>>) target_semaphore(%run_scoped3A : memref<!tpu.dma_semaphore, #tpu.memory_space<semaphore_mem>>)
      tpu.wait_dma2 semaphore(%run_scoped3A : memref<!tpu.dma_semaphore, #tpu.memory_space<semaphore_mem>>) src(%arg4 : memref<128xf32, #tpu.memory_space<hbm>>) dst(%arg12 : memref<128xf32, #tpu.memory_space<vmem>>)
      tpu.yield
    }) : () -> ()
    %get3A = arith.constant 0 : index
    %get3A_3 = tpu.vector_load %arg10[%get3A] {strides = array<i32>} : memref<128xf32, #tpu.memory_space<vmem>>, vector<16xf32>,
    %get3A_4 = vector.shape_cast %get3A_3 : vector<16xf32> to vector<16xf32>
    %get3A_5 = arith.constant 0 : index
    %get3A_6 = tpu.vector_load %arg11[%get3A_5] {strides = array<i32>} : memref<128xf32, #tpu.memory_space<vmem>>, vector<16xf32>,
    %get3A_7 = vector.shape_cast %get3A_6 : vector<16xf32> to vector<16xf32>
    %exp3A = math.exp %get3A_7 : vector<16xf32>
    %get3A_8 = arith.constant 0 : index
    %get3A_9 = tpu.vector_load %arg12[%get3A_8] {strides = array<i32>} : memref<128xf32, #tpu.memory_space<vmem>>, vector<16xf32>,
    %get3A_10 = vector.shape_cast %get3A_9 : vector<16xf32> to vector<16xf32>
    %mul3A_11 = arith.mulf %exp3A, %get3A_10 : vector<16xf32>
    %add3A_12 = arith.addf %get3A_4, %mul3A_11 : vector<16xf32>
    %get3A_13 = arith.constant 16 : index
    %get3A_14 = tpu.vector_load %arg10[%get3A_13] {strides = array<i32>} : memref<128xf32, #tpu.memory_space<vmem>>, vector<16xf32>,
    %get3A_15 = vector.shape_cast %get3A_14 : vector<16xf32> to vector<16xf32>
    %get3A_16 = arith.constant 16 : index
    %get3A_17 = tpu.vector_load %arg11[%get3A_16] {strides = array<i32>} : memref<128xf32, #tpu.memory_space<vmem>>, vector<16xf32>,
    %get3A_18 = vector.shape_cast %get3A_17 : vector<16xf32> to vector<16xf32>
    %exp3A_19 = math.exp %get3A_18 : vector<16xf32>
    %get3A_20 = arith.constant 16 : index
    %get3A_21 = tpu.vector_load %arg12[%get3A_20] {strides = array<i32>} : memref<128xf32, #tpu.memory_space<vmem>>, vector<16xf32>,
    %get3A_22 = vector.shape_cast %get3A_21 : vector<16xf32> to vector<16xf32>
    %mul3A_23 = arith.mulf %exp3A_19, %get3A_22 : vector<16xf32>
    %add3A_24 = arith.addf %get3A_15, %mul3A_23 : vector<16xf32>
    %get3A_25 = arith.constant 32 : index
    %get3A_26 = tpu.vector_load %arg10[%get3A_25] {strides = array<i32>} : memref<128xf32, #tpu.memory_space<vmem>>, vector<16xf32>,
    %get3A_27 = vector.shape_cast %get3A_26 : vector<16xf32> to vector<16xf32>
    %get3A_28 = arith.constant 32 : index
    %get3A_29 = tpu.vector_load %arg11[%get3A_28] {strides = array<i32>} : memref<128xf32, #tpu.memory_space<vmem>>, vector<16xf32>,
    %get3A_30 = vector.shape_cast %get3A_29 : vector<16xf32> to vector<16xf32>
    %exp3A_31 = math.exp %get3A_30 : vector<16xf32>
    %get3A_32 = arith.constant 32 : index
    %get3A_33 = tpu.vector_load %arg12[%get3A_32] {strides = array<i32>} : memref<128xf32, #tpu.memory_space<vmem>>, vector<16xf32>,
    %get3A_34 = vector.shape_cast %get3A_33 : vector<16xf32> to vector<16xf32>
    %mul3A_35 = arith.mulf %exp3A_31, %get3A_34 : vector<16xf32>
    %add3A_36 = arith.addf %get3A_27, %mul3A_35 : vector<16xf32>
    %get3A_37 = arith.constant 48 : index
    %get3A_38 = tpu.vector_load %arg10[%get3A_37] {strides = array<i32>} : memref<128xf32, #tpu.memory_space<vmem>>, vector<16xf32>,
    %get3A_39 = vector.shape_cast %get3A_38 : vector<16xf32> to vector<16xf32>
    %get3A_40 = arith.constant 48 : index
    %get3A_41 = tpu.vector_load %arg11[%get3A_40] {strides = array<i32>} : memref<128xf32, #tpu.memory_space<vmem>>, vector<16xf32>,
    %get3A_42 = vector.shape_cast %get3A_41 : vector<16xf32> to vector<16xf32>
    %exp3A_43 = math.exp %get3A_42 : vector<16xf32>
    %get3A_44 = arith.constant 48 : index
    %get3A_45 = tpu.vector_load %arg12[%get3A_44] {strides = array<i32>} : memref<128xf32, #tpu.memory_space<vmem>>, vector<16xf32>,
    %get3A_46 = vector.shape_cast %get3A_45 : vector<16xf32> to vector<16xf32>
    %mul3A_47 = arith.mulf %exp3A_43, %get3A_46 : vector<16xf32>
    %add3A_48 = arith.addf %get3A_39, %mul3A_47 : vector<16xf32>
    %get3A_49 = arith.constant 64 : index
    %get3A_50 = tpu.vector_load %arg10[%get3A_49] {strides = array<i32>} : memref<128xf32, #tpu.memory_space<vmem>>, vector<16xf32>,
    %get3A_51 = vector.shape_cast %get3A_50 : vector<16xf32> to vector<16xf32>
    %get3A_52 = arith.constant 64 : index
    %get3A_53 = tpu.vector_load %arg11[%get3A_52] {strides = array<i32>} : memref<128xf32, #tpu.memory_space<vmem>>, vector<16xf32>,
    %get3A_54 = vector.shape_cast %get3A_53 : vector<16xf32> to vector<16xf32>
    %exp3A_55 = math.exp %get3A_54 : vector<16xf32>
    %get3A_56 = arith.constant 64 : index
    %get3A_57 = tpu.vector_load %arg12[%get3A_56] {strides = array<i32>} : memref<128xf32, #tpu.memory_space<vmem>>, vector<16xf32>,
    %get3A_58 = vector.shape_cast %get3A_57 : vector<16xf32> to vector<16xf32>
    %mul3A_59 = arith.mulf %exp3A_55, %get3A_58 : vector<16xf32>
    %add3A_60 = arith.addf %get3A_51, %mul3A_59 : vector<16xf32>
    %get3A_61 = arith.constant 80 : index
    %get3A_62 = tpu.vector_load %arg10[%get3A_61] {strides = array<i32>} : memref<128xf32, #tpu.memory_space<vmem>>, vector<16xf32>,
    %get3A_63 = vector.shape_cast %get3A_62 : vector<16xf32> to vector<16xf32>
    %get3A_64 = arith.constant 80 : index
    %get3A_65 = tpu.vector_load %arg11[%get3A_64] {strides = array<i32>} : memref<128xf32, #tpu.memory_space<vmem>>, vector<16xf32>,
    %get3A_66 = vector.shape_cast %get3A_65 : vector<16xf32> to vector<16xf32>
    %exp3A_67 = math.exp %get3A_66 : vector<16xf32>
    %get3A_68 = arith.constant 80 : index
    %get3A_69 = tpu.vector_load %arg12[%get3A_68] {strides = array<i32>} : memref<128xf32, #tpu.memory_space<vmem>>, vector<16xf32>,
    %get3A_70 = vector.shape_cast %get3A_69 : vector<16xf32> to vector<16xf32>
    %mul3A_71 = arith.mulf %exp3A_67, %get3A_70 : vector<16xf32>
    %add3A_72 = arith.addf %get3A_63, %mul3A_71 : vector<16xf32>
    %get3A_73 = arith.constant 96 : index
    %get3A_74 = tpu.vector_load %arg10[%get3A_73] {strides = array<i32>} : memref<128xf32, #tpu.memory_space<vmem>>, vector<16xf32>,
    %get3A_75 = vector.shape_cast %get3A_74 : vector<16xf32> to vector<16xf32>
    %get3A_76 = arith.constant 96 : index
    %get3A_77 = tpu.vector_load %arg11[%get3A_76] {strides = array<i32>} : memref<128xf32, #tpu.memory_space<vmem>>, vector<16xf32>,
    %get3A_78 = vector.shape_cast %get3A_77 : vector<16xf32> to vector<16xf32>
    %exp3A_79 = math.exp %get3A_78 : vector<16xf32>
    %get3A_80 = arith.constant 96 : index
    %get3A_81 = tpu.vector_load %arg12[%get3A_80] {strides = array<i32>} : memref<128xf32, #tpu.memory_space<vmem>>, vector<16xf32>,
    %get3A_82 = vector.shape_cast %get3A_81 : vector<16xf32> to vector<16xf32>
    %mul3A_83 = arith.mulf %exp3A_79, %get3A_82 : vector<16xf32>
    %add3A_84 = arith.addf %get3A_75, %mul3A_83 : vector<16xf32>
    %get3A_85 = arith.constant 112 : index
    %get3A_86 = tpu.vector_load %arg10[%get3A_85] {strides = array<i32>} : memref<128xf32, #tpu.memory_space<vmem>>, vector<16xf32>,
    %get3A_87 = vector.shape_cast %get3A_86 : vector<16xf32> to vector<16xf32>
    %get3A_88 = arith.constant 112 : index
    %get3A_89 = tpu.vector_load %arg11[%get3A_88] {strides = array<i32>} : memref<128xf32, #tpu.memory_space<vmem>>, vector<16xf32>,
    %get3A_90 = vector.shape_cast %get3A_89 : vector<16xf32> to vector<16xf32>
    %exp3A_91 = math.exp %get3A_90 : vector<16xf32>
    %get3A_92 = arith.constant 112 : index
    %get3A_93 = tpu.vector_load %arg12[%get3A_92] {strides = array<i32>} : memref<128xf32, #tpu.memory_space<vmem>>, vector<16xf32>,
    %get3A_94 = vector.shape_cast %get3A_93 : vector<16xf32> to vector<16xf32>
    %mul3A_95 = arith.mulf %exp3A_91, %get3A_94 : vector<16xf32>
    %add3A_96 = arith.addf %get3A_87, %mul3A_95 : vector<16xf32>
    %scan3A = arith.constant 0 : i32
    %scan3A_97 = arith.constant 0 : i32
    %scan3A_98 = arith.constant 5 : i32
    %scan3A_99 = arith.addi %scan3A_97, %scan3A_98 : i32
    %scan3A_100 = arith.constant 1 : i32
    %scan3A_101 = scf.for %scan3A_103 = %scan3A_97 to %scan3A_99 step %scan3A_100 iter_args(%scan3A_104 = %scan3A) -> (i32)  : i32 {
      %mul3A_105 = arith.constant 16000 : i32
      %mul3A_106 = arith.muli %scan3A_103, %mul3A_105 : i32
      %add3A_107 = arith.addi %mul3A_2, %mul3A_106 : i32
      "tpu.region"() ({
        %run_scoped3A = tpu.sem_alloc : memref<!tpu.dma_semaphore, #tpu.memory_space<semaphore_mem>>
        %dma_start3A = tpu.memref_slice %arg5[%add3A_107] : memref<12800000xf32, #tpu.memory_space<hbm>> -> memref<16000xf32, #tpu.memory_space<hbm>>
        %dma_start3A_116 = tpu.memref_slice %arg5[%add3A_107] : memref<12800000xf32, #tpu.memory_space<hbm>> -> memref<16000xf32, #tpu.memory_space<hbm>>
        tpu.enqueue_dma source(%dma_start3A_116 : memref<16000xf32, #tpu.memory_space<hbm>>) target(%arg13 : memref<16000xf32, #tpu.memory_space<vmem>>) target_semaphore(%run_scoped3A : memref<!tpu.dma_semaphore, #tpu.memory_space<semaphore_mem>>)
        %dma_wait3A = tpu.memref_slice %arg5[%add3A_107] : memref<12800000xf32, #tpu.memory_space<hbm>> -> memref<16000xf32, #tpu.memory_space<hbm>>
        %dma_wait3A_117 = tpu.memref_slice %arg5[%add3A_107] : memref<12800000xf32, #tpu.memory_space<hbm>> -> memref<16000xf32, #tpu.memory_space<hbm>>
        tpu.wait_dma2 semaphore(%run_scoped3A : memref<!tpu.dma_semaphore, #tpu.memory_space<semaphore_mem>>) src(%dma_wait3A_117 : memref<16000xf32, #tpu.memory_space<hbm>>) dst(%arg13 : memref<16000xf32, #tpu.memory_space<vmem>>)
        tpu.yield
      }) : () -> ()
      "tpu.region"() ({
        %run_scoped3A = tpu.sem_alloc : memref<!tpu.dma_semaphore, #tpu.memory_space<semaphore_mem>>
        %dma_start3A = tpu.memref_slice %arg6[%add3A_107] : memref<12800000xf32, #tpu.memory_space<hbm>> -> memref<16000xf32, #tpu.memory_space<hbm>>
        %dma_start3A_116 = tpu.memref_slice %arg6[%add3A_107] : memref<12800000xf32, #tpu.memory_space<hbm>> -> memref<16000xf32, #tpu.memory_space<hbm>>
        tpu.enqueue_dma source(%dma_start3A_116 : memref<16000xf32, #tpu.memory_space<hbm>>) target(%arg14 : memref<16000xf32, #tpu.memory_space<vmem>>) target_semaphore(%run_scoped3A : memref<!tpu.dma_semaphore, #tpu.memory_space<semaphore_mem>>)
        %dma_wait3A = tpu.memref_slice %arg6[%add3A_107] : memref<12800000xf32, #tpu.memory_space<hbm>> -> memref<16000xf32, #tpu.memory_space<hbm>>
        %dma_wait3A_117 = tpu.memref_slice %arg6[%add3A_107] : memref<12800000xf32, #tpu.memory_space<hbm>> -> memref<16000xf32, #tpu.memory_space<hbm>>
        tpu.wait_dma2 semaphore(%run_scoped3A : memref<!tpu.dma_semaphore, #tpu.memory_space<semaphore_mem>>) src(%dma_wait3A_117 : memref<16000xf32, #tpu.memory_space<hbm>>) dst(%arg14 : memref<16000xf32, #tpu.memory_space<vmem>>)
        tpu.yield
      }) : () -> ()
      "tpu.region"() ({
        %run_scoped3A = tpu.sem_alloc : memref<!tpu.dma_semaphore, #tpu.memory_space<semaphore_mem>>
        %dma_start3A = tpu.memref_slice %arg7[%add3A_107] : memref<12800000xf32, #tpu.memory_space<hbm>> -> memref<16000xf32, #tpu.memory_space<hbm>>
        %dma_start3A_116 = tpu.memref_slice %arg7[%add3A_107] : memref<12800000xf32, #tpu.memory_space<hbm>> -> memref<16000xf32, #tpu.memory_space<hbm>>
        tpu.enqueue_dma source(%dma_start3A_116 : memref<16000xf32, #tpu.memory_space<hbm>>) target(%arg15 : memref<16000xf32, #tpu.memory_space<vmem>>) target_semaphore(%run_scoped3A : memref<!tpu.dma_semaphore, #tpu.memory_space<semaphore_mem>>)
        %dma_wait3A = tpu.memref_slice %arg7[%add3A_107] : memref<12800000xf32, #tpu.memory_space<hbm>> -> memref<16000xf32, #tpu.memory_space<hbm>>
        %dma_wait3A_117 = tpu.memref_slice %arg7[%add3A_107] : memref<12800000xf32, #tpu.memory_space<hbm>> -> memref<16000xf32, #tpu.memory_space<hbm>>
        tpu.wait_dma2 semaphore(%run_scoped3A : memref<!tpu.dma_semaphore, #tpu.memory_space<semaphore_mem>>) src(%dma_wait3A_117 : memref<16000xf32, #tpu.memory_space<hbm>>) dst(%arg15 : memref<16000xf32, #tpu.memory_space<vmem>>)
        tpu.yield
      }) : () -> ()
      "tpu.region"() ({
        %run_scoped3A = tpu.sem_alloc : memref<!tpu.dma_semaphore, #tpu.memory_space<semaphore_mem>>
        %dma_start3A = tpu.memref_slice %arg8[%add3A_107] : memref<12800000xf32, #tpu.memory_space<hbm>> -> memref<16000xf32, #tpu.memory_space<hbm>>
        %dma_start3A_116 = tpu.memref_slice %arg8[%add3A_107] : memref<12800000xf32, #tpu.memory_space<hbm>> -> memref<16000xf32, #tpu.memory_space<hbm>>
        tpu.enqueue_dma source(%dma_start3A_116 : memref<16000xf32, #tpu.memory_space<hbm>>) target(%arg16 : memref<16000xf32, #tpu.memory_space<vmem>>) target_semaphore(%run_scoped3A : memref<!tpu.dma_semaphore, #tpu.memory_space<semaphore_mem>>)
        %dma_wait3A = tpu.memref_slice %arg8[%add3A_107] : memref<12800000xf32, #tpu.memory_space<hbm>> -> memref<16000xf32, #tpu.memory_space<hbm>>
        %dma_wait3A_117 = tpu.memref_slice %arg8[%add3A_107] : memref<12800000xf32, #tpu.memory_space<hbm>> -> memref<16000xf32, #tpu.memory_space<hbm>>
        tpu.wait_dma2 semaphore(%run_scoped3A : memref<!tpu.dma_semaphore, #tpu.memory_space<semaphore_mem>>) src(%dma_wait3A_117 : memref<16000xf32, #tpu.memory_space<hbm>>) dst(%arg16 : memref<16000xf32, #tpu.memory_space<vmem>>)
        tpu.yield
      }) : () -> ()
      %scan3A_108 = arith.constant 0 : i32
      %scan3A_109 = arith.constant 0 : i32
      %scan3A_110 = arith.constant 125 : i32
      %scan3A_111 = arith.addi %scan3A_109, %scan3A_110 : i32
      %scan3A_112 = arith.constant 1 : i32
      %scan3A_113 = scf.for %scan3A_116 = %scan3A_109 to %scan3A_111 step %scan3A_112 iter_args(%scan3A_117 = %scan3A_108) -> (i32)  : i32 {
        %mul3A_118 = arith.constant 128 : i32
        %mul3A_119 = arith.muli %scan3A_116, %mul3A_118 : i32
        %add3A_120 = arith.constant 0 : i32
        %add3A_121 = arith.addi %mul3A_119, %add3A_120 : i32
        %get3A_122 = arith.index_cast %add3A_121 : i32 to index
        %get3A_123 = tpu.vector_load %arg13[%get3A_122] {strides = array<i32>} : memref<16000xf32, #tpu.memory_space<vmem>>, vector<16xf32>,
        %get3A_124 = vector.shape_cast %get3A_123 : vector<16xf32> to vector<16xf32>
        %mul3A_125 = arith.mulf %get3A_124, %add3A_12 : vector<16xf32>
        %get3A_126 = arith.index_cast %add3A_121 : i32 to index
        %get3A_127 = tpu.vector_load %arg14[%get3A_126] {strides = array<i32>} : memref<16000xf32, #tpu.memory_space<vmem>>, vector<16xf32>,
        %get3A_128 = vector.shape_cast %get3A_127 : vector<16xf32> to vector<16xf32>
        %add3A_129 = arith.addf %mul3A_125, %get3A_128 : vector<16xf32>
        %get3A_130 = arith.index_cast %add3A_121 : i32 to index
        %get3A_131 = tpu.vector_load %arg15[%get3A_130] {strides = array<i32>} : memref<16000xf32, #tpu.memory_space<vmem>>, vector<16xf32>,
        %get3A_132 = vector.shape_cast %get3A_131 : vector<16xf32> to vector<16xf32>
        %exp3A_133 = math.exp %get3A_132 : vector<16xf32>
        %get3A_134 = arith.index_cast %add3A_121 : i32 to index
        %get3A_135 = tpu.vector_load %arg16[%get3A_134] {strides = array<i32>} : memref<16000xf32, #tpu.memory_space<vmem>>, vector<16xf32>,
        %get3A_136 = vector.shape_cast %get3A_135 : vector<16xf32> to vector<16xf32>
        %mul3A_137 = arith.mulf %exp3A_133, %get3A_136 : vector<16xf32>
        %add3A_138 = arith.addf %add3A_129, %mul3A_137 : vector<16xf32>
        %swap3A = arith.index_cast %add3A_121 : i32 to index
        %swap3A_139 = tpu.vector_load %arg16[%swap3A] {strides = array<i32>} : memref<16000xf32, #tpu.memory_space<vmem>>, vector<16xf32>,
        %swap3A_140 = vector.shape_cast %swap3A_139 : vector<16xf32> to vector<16xf32>
        %swap3A_141 = vector.shape_cast %add3A_138 : vector<16xf32> to vector<16xf32>
        tpu.vector_store %arg16[%swap3A], %swap3A_141 {strides = array<i32>} : memref<16000xf32, #tpu.memory_space<vmem>>, vector<16xf32>,
        %add3A_142 = arith.constant 16 : i32
        %add3A_143 = arith.addi %mul3A_119, %add3A_142 : i32
        %get3A_144 = arith.index_cast %add3A_143 : i32 to index
        %get3A_145 = tpu.vector_load %arg13[%get3A_144] {strides = array<i32>} : memref<16000xf32, #tpu.memory_space<vmem>>, vector<16xf32>,
        %get3A_146 = vector.shape_cast %get3A_145 : vector<16xf32> to vector<16xf32>
        %mul3A_147 = arith.mulf %get3A_146, %add3A_24 : vector<16xf32>
        %get3A_148 = arith.index_cast %add3A_143 : i32 to index
        %get3A_149 = tpu.vector_load %arg14[%get3A_148] {strides = array<i32>} : memref<16000xf32, #tpu.memory_space<vmem>>, vector<16xf32>,
        %get3A_150 = vector.shape_cast %get3A_149 : vector<16xf32> to vector<16xf32>
        %add3A_151 = arith.addf %mul3A_147, %get3A_150 : vector<16xf32>
        %get3A_152 = arith.index_cast %add3A_143 : i32 to index
        %get3A_153 = tpu.vector_load %arg15[%get3A_152] {strides = array<i32>} : memref<16000xf32, #tpu.memory_space<vmem>>, vector<16xf32>,
        %get3A_154 = vector.shape_cast %get3A_153 : vector<16xf32> to vector<16xf32>
        %exp3A_155 = math.exp %get3A_154 : vector<16xf32>
        %get3A_156 = arith.index_cast %add3A_143 : i32 to index
        %get3A_157 = tpu.vector_load %arg16[%get3A_156] {strides = array<i32>} : memref<16000xf32, #tpu.memory_space<vmem>>, vector<16xf32>,
        %get3A_158 = vector.shape_cast %get3A_157 : vector<16xf32> to vector<16xf32>
        %mul3A_159 = arith.mulf %exp3A_155, %get3A_158 : vector<16xf32>
        %add3A_160 = arith.addf %add3A_151, %mul3A_159 : vector<16xf32>
        %swap3A_161 = arith.index_cast %add3A_143 : i32 to index
        %swap3A_162 = tpu.vector_load %arg16[%swap3A_161] {strides = array<i32>} : memref<16000xf32, #tpu.memory_space<vmem>>, vector<16xf32>,
        %swap3A_163 = vector.shape_cast %swap3A_162 : vector<16xf32> to vector<16xf32>
        %swap3A_164 = vector.shape_cast %add3A_160 : vector<16xf32> to vector<16xf32>
        tpu.vector_store %arg16[%swap3A_161], %swap3A_164 {strides = array<i32>} : memref<16000xf32, #tpu.memory_space<vmem>>, vector<16xf32>,
        %add3A_165 = arith.constant 32 : i32
        %add3A_166 = arith.addi %mul3A_119, %add3A_165 : i32
        %get3A_167 = arith.index_cast %add3A_166 : i32 to index
        %get3A_168 = tpu.vector_load %arg13[%get3A_167] {strides = array<i32>} : memref<16000xf32, #tpu.memory_space<vmem>>, vector<16xf32>,
        %get3A_169 = vector.shape_cast %get3A_168 : vector<16xf32> to vector<16xf32>
        %mul3A_170 = arith.mulf %get3A_169, %add3A_36 : vector<16xf32>
        %get3A_171 = arith.index_cast %add3A_166 : i32 to index
        %get3A_172 = tpu.vector_load %arg14[%get3A_171] {strides = array<i32>} : memref<16000xf32, #tpu.memory_space<vmem>>, vector<16xf32>,
        %get3A_173 = vector.shape_cast %get3A_172 : vector<16xf32> to vector<16xf32>
        %add3A_174 = arith.addf %mul3A_170, %get3A_173 : vector<16xf32>
        %get3A_175 = arith.index_cast %add3A_166 : i32 to index
        %get3A_176 = tpu.vector_load %arg15[%get3A_175] {strides = array<i32>} : memref<16000xf32, #tpu.memory_space<vmem>>, vector<16xf32>,
        %get3A_177 = vector.shape_cast %get3A_176 : vector<16xf32> to vector<16xf32>
        %exp3A_178 = math.exp %get3A_177 : vector<16xf32>
        %get3A_179 = arith.index_cast %add3A_166 : i32 to index
        %get3A_180 = tpu.vector_load %arg16[%get3A_179] {strides = array<i32>} : memref<16000xf32, #tpu.memory_space<vmem>>, vector<16xf32>,
        %get3A_181 = vector.shape_cast %get3A_180 : vector<16xf32> to vector<16xf32>
        %mul3A_182 = arith.mulf %exp3A_178, %get3A_181 : vector<16xf32>
        %add3A_183 = arith.addf %add3A_174, %mul3A_182 : vector<16xf32>
        %swap3A_184 = arith.index_cast %add3A_166 : i32 to index
        %swap3A_185 = tpu.vector_load %arg16[%swap3A_184] {strides = array<i32>} : memref<16000xf32, #tpu.memory_space<vmem>>, vector<16xf32>,
        %swap3A_186 = vector.shape_cast %swap3A_185 : vector<16xf32> to vector<16xf32>
        %swap3A_187 = vector.shape_cast %add3A_183 : vector<16xf32> to vector<16xf32>
        tpu.vector_store %arg16[%swap3A_184], %swap3A_187 {strides = array<i32>} : memref<16000xf32, #tpu.memory_space<vmem>>, vector<16xf32>,
        %add3A_188 = arith.constant 48 : i32
        %add3A_189 = arith.addi %mul3A_119, %add3A_188 : i32
        %get3A_190 = arith.index_cast %add3A_189 : i32 to index
        %get3A_191 = tpu.vector_load %arg13[%get3A_190] {strides = array<i32>} : memref<16000xf32, #tpu.memory_space<vmem>>, vector<16xf32>,
        %get3A_192 = vector.shape_cast %get3A_191 : vector<16xf32> to vector<16xf32>
        %mul3A_193 = arith.mulf %get3A_192, %add3A_48 : vector<16xf32>
        %get3A_194 = arith.index_cast %add3A_189 : i32 to index
        %get3A_195 = tpu.vector_load %arg14[%get3A_194] {strides = array<i32>} : memref<16000xf32, #tpu.memory_space<vmem>>, vector<16xf32>,
        %get3A_196 = vector.shape_cast %get3A_195 : vector<16xf32> to vector<16xf32>
        %add3A_197 = arith.addf %mul3A_193, %get3A_196 : vector<16xf32>
        %get3A_198 = arith.index_cast %add3A_189 : i32 to index
        %get3A_199 = tpu.vector_load %arg15[%get3A_198] {strides = array<i32>} : memref<16000xf32, #tpu.memory_space<vmem>>, vector<16xf32>,
        %get3A_200 = vector.shape_cast %get3A_199 : vector<16xf32> to vector<16xf32>
        %exp3A_201 = math.exp %get3A_200 : vector<16xf32>
        %get3A_202 = arith.index_cast %add3A_189 : i32 to index
        %get3A_203 = tpu.vector_load %arg16[%get3A_202] {strides = array<i32>} : memref<16000xf32, #tpu.memory_space<vmem>>, vector<16xf32>,
        %get3A_204 = vector.shape_cast %get3A_203 : vector<16xf32> to vector<16xf32>
        %mul3A_205 = arith.mulf %exp3A_201, %get3A_204 : vector<16xf32>
        %add3A_206 = arith.addf %add3A_197, %mul3A_205 : vector<16xf32>
        %swap3A_207 = arith.index_cast %add3A_189 : i32 to index
        %swap3A_208 = tpu.vector_load %arg16[%swap3A_207] {strides = array<i32>} : memref<16000xf32, #tpu.memory_space<vmem>>, vector<16xf32>,
        %swap3A_209 = vector.shape_cast %swap3A_208 : vector<16xf32> to vector<16xf32>
        %swap3A_210 = vector.shape_cast %add3A_206 : vector<16xf32> to vector<16xf32>
        tpu.vector_store %arg16[%swap3A_207], %swap3A_210 {strides = array<i32>} : memref<16000xf32, #tpu.memory_space<vmem>>, vector<16xf32>,
        %add3A_211 = arith.constant 64 : i32
        %add3A_212 = arith.addi %mul3A_119, %add3A_211 : i32
        %get3A_213 = arith.index_cast %add3A_212 : i32 to index
        %get3A_214 = tpu.vector_load %arg13[%get3A_213] {strides = array<i32>} : memref<16000xf32, #tpu.memory_space<vmem>>, vector<16xf32>,
        %get3A_215 = vector.shape_cast %get3A_214 : vector<16xf32> to vector<16xf32>
        %mul3A_216 = arith.mulf %get3A_215, %add3A_60 : vector<16xf32>
        %get3A_217 = arith.index_cast %add3A_212 : i32 to index
        %get3A_218 = tpu.vector_load %arg14[%get3A_217] {strides = array<i32>} : memref<16000xf32, #tpu.memory_space<vmem>>, vector<16xf32>,
        %get3A_219 = vector.shape_cast %get3A_218 : vector<16xf32> to vector<16xf32>
        %add3A_220 = arith.addf %mul3A_216, %get3A_219 : vector<16xf32>
        %get3A_221 = arith.index_cast %add3A_212 : i32 to index
        %get3A_222 = tpu.vector_load %arg15[%get3A_221] {strides = array<i32>} : memref<16000xf32, #tpu.memory_space<vmem>>, vector<16xf32>,
        %get3A_223 = vector.shape_cast %get3A_222 : vector<16xf32> to vector<16xf32>
        %exp3A_224 = math.exp %get3A_223 : vector<16xf32>
        %get3A_225 = arith.index_cast %add3A_212 : i32 to index
        %get3A_226 = tpu.vector_load %arg16[%get3A_225] {strides = array<i32>} : memref<16000xf32, #tpu.memory_space<vmem>>, vector<16xf32>,
        %get3A_227 = vector.shape_cast %get3A_226 : vector<16xf32> to vector<16xf32>
        %mul3A_228 = arith.mulf %exp3A_224, %get3A_227 : vector<16xf32>
        %add3A_229 = arith.addf %add3A_220, %mul3A_228 : vector<16xf32>
        %swap3A_230 = arith.index_cast %add3A_212 : i32 to index
        %swap3A_231 = tpu.vector_load %arg16[%swap3A_230] {strides = array<i32>} : memref<16000xf32, #tpu.memory_space<vmem>>, vector<16xf32>,
        %swap3A_232 = vector.shape_cast %swap3A_231 : vector<16xf32> to vector<16xf32>
        %swap3A_233 = vector.shape_cast %add3A_229 : vector<16xf32> to vector<16xf32>
        tpu.vector_store %arg16[%swap3A_230], %swap3A_233 {strides = array<i32>} : memref<16000xf32, #tpu.memory_space<vmem>>, vector<16xf32>,
        %add3A_234 = arith.constant 80 : i32
        %add3A_235 = arith.addi %mul3A_119, %add3A_234 : i32
        %get3A_236 = arith.index_cast %add3A_235 : i32 to index
        %get3A_237 = tpu.vector_load %arg13[%get3A_236] {strides = array<i32>} : memref<16000xf32, #tpu.memory_space<vmem>>, vector<16xf32>,
        %get3A_238 = vector.shape_cast %get3A_237 : vector<16xf32> to vector<16xf32>
        %mul3A_239 = arith.mulf %get3A_238, %add3A_72 : vector<16xf32>
        %get3A_240 = arith.index_cast %add3A_235 : i32 to index
        %get3A_241 = tpu.vector_load %arg14[%get3A_240] {strides = array<i32>} : memref<16000xf32, #tpu.memory_space<vmem>>, vector<16xf32>,
        %get3A_242 = vector.shape_cast %get3A_241 : vector<16xf32> to vector<16xf32>
        %add3A_243 = arith.addf %mul3A_239, %get3A_242 : vector<16xf32>
        %get3A_244 = arith.index_cast %add3A_235 : i32 to index
        %get3A_245 = tpu.vector_load %arg15[%get3A_244] {strides = array<i32>} : memref<16000xf32, #tpu.memory_space<vmem>>, vector<16xf32>,
        %get3A_246 = vector.shape_cast %get3A_245 : vector<16xf32> to vector<16xf32>
        %exp3A_247 = math.exp %get3A_246 : vector<16xf32>
        %get3A_248 = arith.index_cast %add3A_235 : i32 to index
        %get3A_249 = tpu.vector_load %arg16[%get3A_248] {strides = array<i32>} : memref<16000xf32, #tpu.memory_space<vmem>>, vector<16xf32>,
        %get3A_250 = vector.shape_cast %get3A_249 : vector<16xf32> to vector<16xf32>
        %mul3A_251 = arith.mulf %exp3A_247, %get3A_250 : vector<16xf32>
        %add3A_252 = arith.addf %add3A_243, %mul3A_251 : vector<16xf32>
        %swap3A_253 = arith.index_cast %add3A_235 : i32 to index
        %swap3A_254 = tpu.vector_load %arg16[%swap3A_253] {strides = array<i32>} : memref<16000xf32, #tpu.memory_space<vmem>>, vector<16xf32>,
        %swap3A_255 = vector.shape_cast %swap3A_254 : vector<16xf32> to vector<16xf32>
        %swap3A_256 = vector.shape_cast %add3A_252 : vector<16xf32> to vector<16xf32>
        tpu.vector_store %arg16[%swap3A_253], %swap3A_256 {strides = array<i32>} : memref<16000xf32, #tpu.memory_space<vmem>>, vector<16xf32>,
        %add3A_257 = arith.constant 96 : i32
        %add3A_258 = arith.addi %mul3A_119, %add3A_257 : i32
        %get3A_259 = arith.index_cast %add3A_258 : i32 to index
        %get3A_260 = tpu.vector_load %arg13[%get3A_259] {strides = array<i32>} : memref<16000xf32, #tpu.memory_space<vmem>>, vector<16xf32>,
        %get3A_261 = vector.shape_cast %get3A_260 : vector<16xf32> to vector<16xf32>
        %mul3A_262 = arith.mulf %get3A_261, %add3A_84 : vector<16xf32>
        %get3A_263 = arith.index_cast %add3A_258 : i32 to index
        %get3A_264 = tpu.vector_load %arg14[%get3A_263] {strides = array<i32>} : memref<16000xf32, #tpu.memory_space<vmem>>, vector<16xf32>,
        %get3A_265 = vector.shape_cast %get3A_264 : vector<16xf32> to vector<16xf32>
        %add3A_266 = arith.addf %mul3A_262, %get3A_265 : vector<16xf32>
        %get3A_267 = arith.index_cast %add3A_258 : i32 to index
        %get3A_268 = tpu.vector_load %arg15[%get3A_267] {strides = array<i32>} : memref<16000xf32, #tpu.memory_space<vmem>>, vector<16xf32>,
        %get3A_269 = vector.shape_cast %get3A_268 : vector<16xf32> to vector<16xf32>
        %exp3A_270 = math.exp %get3A_269 : vector<16xf32>
        %get3A_271 = arith.index_cast %add3A_258 : i32 to index
        %get3A_272 = tpu.vector_load %arg16[%get3A_271] {strides = array<i32>} : memref<16000xf32, #tpu.memory_space<vmem>>, vector<16xf32>,
        %get3A_273 = vector.shape_cast %get3A_272 : vector<16xf32> to vector<16xf32>
        %mul3A_274 = arith.mulf %exp3A_270, %get3A_273 : vector<16xf32>
        %add3A_275 = arith.addf %add3A_266, %mul3A_274 : vector<16xf32>
        %swap3A_276 = arith.index_cast %add3A_258 : i32 to index
        %swap3A_277 = tpu.vector_load %arg16[%swap3A_276] {strides = array<i32>} : memref<16000xf32, #tpu.memory_space<vmem>>, vector<16xf32>,
        %swap3A_278 = vector.shape_cast %swap3A_277 : vector<16xf32> to vector<16xf32>
        %swap3A_279 = vector.shape_cast %add3A_275 : vector<16xf32> to vector<16xf32>
        tpu.vector_store %arg16[%swap3A_276], %swap3A_279 {strides = array<i32>} : memref<16000xf32, #tpu.memory_space<vmem>>, vector<16xf32>,
        %add3A_280 = arith.constant 112 : i32
        %add3A_281 = arith.addi %mul3A_119, %add3A_280 : i32
        %get3A_282 = arith.index_cast %add3A_281 : i32 to index
        %get3A_283 = tpu.vector_load %arg13[%get3A_282] {strides = array<i32>} : memref<16000xf32, #tpu.memory_space<vmem>>, vector<16xf32>,
        %get3A_284 = vector.shape_cast %get3A_283 : vector<16xf32> to vector<16xf32>
        %mul3A_285 = arith.mulf %get3A_284, %add3A_96 : vector<16xf32>
        %get3A_286 = arith.index_cast %add3A_281 : i32 to index
        %get3A_287 = tpu.vector_load %arg14[%get3A_286] {strides = array<i32>} : memref<16000xf32, #tpu.memory_space<vmem>>, vector<16xf32>,
        %get3A_288 = vector.shape_cast %get3A_287 : vector<16xf32> to vector<16xf32>
        %add3A_289 = arith.addf %mul3A_285, %get3A_288 : vector<16xf32>
        %get3A_290 = arith.index_cast %add3A_281 : i32 to index
        %get3A_291 = tpu.vector_load %arg15[%get3A_290] {strides = array<i32>} : memref<16000xf32, #tpu.memory_space<vmem>>, vector<16xf32>,
        %get3A_292 = vector.shape_cast %get3A_291 : vector<16xf32> to vector<16xf32>
        %exp3A_293 = math.exp %get3A_292 : vector<16xf32>
        %get3A_294 = arith.index_cast %add3A_281 : i32 to index
        %get3A_295 = tpu.vector_load %arg16[%get3A_294] {strides = array<i32>} : memref<16000xf32, #tpu.memory_space<vmem>>, vector<16xf32>,
        %get3A_296 = vector.shape_cast %get3A_295 : vector<16xf32> to vector<16xf32>
        %mul3A_297 = arith.mulf %exp3A_293, %get3A_296 : vector<16xf32>
        %add3A_298 = arith.addf %add3A_289, %mul3A_297 : vector<16xf32>
        %swap3A_299 = arith.index_cast %add3A_281 : i32 to index
        %swap3A_300 = tpu.vector_load %arg16[%swap3A_299] {strides = array<i32>} : memref<16000xf32, #tpu.memory_space<vmem>>, vector<16xf32>,
        %swap3A_301 = vector.shape_cast %swap3A_300 : vector<16xf32> to vector<16xf32>
        %swap3A_302 = vector.shape_cast %add3A_298 : vector<16xf32> to vector<16xf32>
        tpu.vector_store %arg16[%swap3A_299], %swap3A_302 {strides = array<i32>} : memref<16000xf32, #tpu.memory_space<vmem>>, vector<16xf32>,
        %scan3A_303 = arith.constant 0 : i32
        scf.yield %scan3A_303 : i32
      }
      %scan3A_114 = arith.constant 125 : i32
      "tpu.region"() ({
        %run_scoped3A = tpu.sem_alloc : memref<!tpu.dma_semaphore, #tpu.memory_space<semaphore_mem>>
        %dma_start3A = tpu.memref_slice %arg9[%add3A_107] : memref<2560000xf32, #tpu.memory_space<hbm>> -> memref<16000xf32, #tpu.memory_space<hbm>>
        %dma_start3A_116 = tpu.memref_slice %arg9[%add3A_107] : memref<2560000xf32, #tpu.memory_space<hbm>> -> memref<16000xf32, #tpu.memory_space<hbm>>
        tpu.enqueue_dma source(%arg16 : memref<16000xf32, #tpu.memory_space<vmem>>) target(%dma_start3A_116 : memref<16000xf32, #tpu.memory_space<hbm>>) target_semaphore(%run_scoped3A : memref<!tpu.dma_semaphore, #tpu.memory_space<semaphore_mem>>)
        %dma_wait3A = tpu.memref_slice %arg9[%add3A_107] : memref<2560000xf32, #tpu.memory_space<hbm>> -> memref<16000xf32, #tpu.memory_space<hbm>>
        %dma_wait3A_117 = tpu.memref_slice %arg9[%add3A_107] : memref<2560000xf32, #tpu.memory_space<hbm>> -> memref<16000xf32, #tpu.memory_space<hbm>>
        tpu.wait_dma2 semaphore(%run_scoped3A : memref<!tpu.dma_semaphore, #tpu.memory_space<semaphore_mem>>) src(%arg16 : memref<16000xf32, #tpu.memory_space<vmem>>) dst(%dma_wait3A_117 : memref<16000xf32, #tpu.memory_space<hbm>>)
        tpu.yield
      }) : () -> ()
      %scan3A_115 = arith.constant 0 : i32
      scf.yield %scan3A_115 : i32
    }
    %scan3A_102 = arith.constant 5 : i32
    return
  }
}

module attributes {stable_mosaic.version = 14 : i64} {
  func.func @_ew_kernel(%arg0: i32, %arg1: memref<1x128xf32, #tpu.memory_space<vmem>>, %arg2: memref<1x128xf32, #tpu.memory_space<vmem>>, %arg3: memref<1x128xf32, #tpu.memory_space<vmem>>, %arg4: memref<4000x128xf32, #tpu.memory_space<vmem>>, %arg5: memref<4000x128xf32, #tpu.memory_space<vmem>>, %arg6: memref<4000x128xf32, #tpu.memory_space<vmem>>, %arg7: memref<4000x128xf32, #tpu.memory_space<vmem>>, %arg8: memref<4000x128xf32, #tpu.memory_space<vmem>>) attributes {dimension_semantics = [#tpu.dimension_semantics<arbitrary>], iteration_bounds = array<i64: 20>, scalar_prefetch = 0 : i64, scratch_operands = 0 : i64, tpu.core_type = #tpu.core_type<tc>, window_params = [{pipeline_mode = #tpu.pipeline_mode<synchronous>, transform_indices = @transform_0, window_bounds = array<i64: 1, 128>}, {pipeline_mode = #tpu.pipeline_mode<synchronous>, transform_indices = @transform_1, window_bounds = array<i64: 1, 128>}, {pipeline_mode = #tpu.pipeline_mode<synchronous>, transform_indices = @transform_2, window_bounds = array<i64: 1, 128>}, {transform_indices = @transform_3, window_bounds = array<i64: 4000, 128>}, {transform_indices = @transform_4, window_bounds = array<i64: 4000, 128>}, {transform_indices = @transform_5, window_bounds = array<i64: 4000, 128>}, {transform_indices = @transform_6, window_bounds = array<i64: 4000, 128>}, {transform_indices = @transform_7, window_bounds = array<i64: 4000, 128>}]} {
    %get3A = arith.constant 0 : index
    %get3A_0 = arith.constant 0 : index
    %get3A_1 = vector.load %arg1[%get3A, %get3A_0] : memref<1x128xf32, #tpu.memory_space<vmem>>, vector<1x128xf32>
    %get3A_2 = arith.constant 0 : index
    %get3A_3 = arith.constant 0 : index
    %get3A_4 = vector.load %arg2[%get3A_2, %get3A_3] : memref<1x128xf32, #tpu.memory_space<vmem>>, vector<1x128xf32>
    %exp3A = math.exp %get3A_4 : vector<1x128xf32>
    %get3A_5 = arith.constant 0 : index
    %get3A_6 = arith.constant 0 : index
    %get3A_7 = vector.load %arg3[%get3A_5, %get3A_6] : memref<1x128xf32, #tpu.memory_space<vmem>>, vector<1x128xf32>
    %mul3A = arith.mulf %exp3A, %get3A_7 : vector<1x128xf32>
    %add3A = arith.addf %get3A_1, %mul3A : vector<1x128xf32>
    %get3A_8 = arith.constant 0 : index
    %get3A_9 = arith.constant 0 : index
    %get3A_10 = vector.load %arg4[%get3A_8, %get3A_9] : memref<4000x128xf32, #tpu.memory_space<vmem>>, vector<4000x128xf32>
    %mul3A_11 = vector.broadcast %add3A : vector<1x128xf32> to vector<4000x128xf32>
    %mul3A_12 = arith.mulf %get3A_10, %mul3A_11 : vector<4000x128xf32>
    %get3A_13 = arith.constant 0 : index
    %get3A_14 = arith.constant 0 : index
    %get3A_15 = vector.load %arg5[%get3A_13, %get3A_14] : memref<4000x128xf32, #tpu.memory_space<vmem>>, vector<4000x128xf32>
    %add3A_16 = arith.addf %mul3A_12, %get3A_15 : vector<4000x128xf32>
    %get3A_17 = arith.constant 0 : index
    %get3A_18 = arith.constant 0 : index
    %get3A_19 = vector.load %arg6[%get3A_17, %get3A_18] : memref<4000x128xf32, #tpu.memory_space<vmem>>, vector<4000x128xf32>
    %exp3A_20 = math.exp %get3A_19 : vector<4000x128xf32>
    %get3A_21 = arith.constant 0 : index
    %get3A_22 = arith.constant 0 : index
    %get3A_23 = vector.load %arg7[%get3A_21, %get3A_22] : memref<4000x128xf32, #tpu.memory_space<vmem>>, vector<4000x128xf32>
    %mul3A_24 = arith.mulf %exp3A_20, %get3A_23 : vector<4000x128xf32>
    %add3A_25 = arith.addf %add3A_16, %mul3A_24 : vector<4000x128xf32>
    %swap3A = arith.constant 0 : index
    %swap3A_26 = arith.constant 0 : index
    %swap3A_27 = vector.load %arg8[%swap3A, %swap3A_26] : memref<4000x128xf32, #tpu.memory_space<vmem>>, vector<4000x128xf32>
    tpu.vector_store %arg8[%swap3A, %swap3A_26], %add3A_25 {strides = array<i32>} : memref<4000x128xf32, #tpu.memory_space<vmem>>, vector<4000x128xf32>,
    return
  }
  func.func @transform_0(%arg0: i32) -> (i32, i32) {
    %c0_i32 = arith.constant 0 : i32
    %c0_i32_0 = arith.constant 0 : i32
    %c0_i32_1 = arith.constant 0 : i32
    return %c0_i32, %c0_i32_0 : i32, i32
  }
  func.func @transform_1(%arg0: i32) -> (i32, i32) {
    %c0_i32 = arith.constant 0 : i32
    %c0_i32_0 = arith.constant 0 : i32
    %c0_i32_1 = arith.constant 0 : i32
    return %c0_i32, %c0_i32_0 : i32, i32
  }
  func.func @transform_2(%arg0: i32) -> (i32, i32) {
    %c0_i32 = arith.constant 0 : i32
    %c0_i32_0 = arith.constant 0 : i32
    %c0_i32_1 = arith.constant 0 : i32
    return %c0_i32, %c0_i32_0 : i32, i32
  }
  func.func @transform_3(%arg0: i32) -> (i32, i32) {
    %add3A = arith.constant 5 : i32
    %add3A_0 = arith.addi %arg0, %add3A : i32
    %c0_i32 = arith.constant 0 : i32
    %c0_i32_1 = arith.constant 0 : i32
    return %add3A_0, %c0_i32 : i32, i32
  }
  func.func @transform_4(%arg0: i32) -> (i32, i32) {
    %add3A = arith.constant 5 : i32
    %add3A_0 = arith.addi %arg0, %add3A : i32
    %c0_i32 = arith.constant 0 : i32
    %c0_i32_1 = arith.constant 0 : i32
    return %add3A_0, %c0_i32 : i32, i32
  }
  func.func @transform_5(%arg0: i32) -> (i32, i32) {
    %add3A = arith.constant 5 : i32
    %add3A_0 = arith.addi %arg0, %add3A : i32
    %c0_i32 = arith.constant 0 : i32
    %c0_i32_1 = arith.constant 0 : i32
    return %add3A_0, %c0_i32 : i32, i32
  }
  func.func @transform_6(%arg0: i32) -> (i32, i32) {
    %add3A = arith.constant 5 : i32
    %add3A_0 = arith.addi %arg0, %add3A : i32
    %c0_i32 = arith.constant 0 : i32
    %c0_i32_1 = arith.constant 0 : i32
    return %add3A_0, %c0_i32 : i32, i32
  }
  func.func @transform_7(%arg0: i32) -> (i32, i32) {
    %add3A = arith.constant 5 : i32
    %add3A_0 = arith.addi %arg0, %add3A : i32
    %c0_i32 = arith.constant 0 : i32
    %c0_i32_1 = arith.constant 0 : i32
    return %add3A_0, %c0_i32 : i32, i32
  }
}

</mosaic_0001>

<sc_bundles>
// kernel: kernel.4.cloned.1.call-start
scs
__scs_entry_jumppad:
0x0: {  	(pc) =	sbr.rel $0x88, $3  }
0x1: {  	(tag) =	ssettag $0x0;
	lr =	simm.s32 $0x1  }
0x2: {  	[smem:$0x3F9A] =	sst lr;
	_ =	strace $0xD0000000  }
0x3: {  	_ = 	snop  }
0x4: {  	_ = 	snop  }
0x5: {  	_ = 	snop  }
0x6: {  	_ = 	snop  }
0x7: {  	_ = 	snop  }
__scs_overlays_trampoline_lowered:
0x8: {  	[smem:$0x3FA9] =	sst s0  }
0x9: {  	[smem:$0x3FAA] =	sst s1  }
0xa: {  	[smem:$0x3FAB] =	sst s2  }
0xb: {  	[smem:$0x3FAC] =	sst s3  }
0xc: {  	[smem:$0x3FAD] =	sst s4  }
0xd: {  	[smem:$0x3FAE] =	sst s5  }
0xe: {  	[smem:$0x3FAF] =	sst s6  }
0xf: {  	[smem:$0x3FB0] =	sst s7  }
0x10: {  	[smem:$0x3FB1] =	sst s8  }
0x11: {  	[smem:$0x3FB2] =	sst s9;
	s0 =	simm.s32 @!p0 $0x0  }
0x12: {  	s1 =	sld [smem:$0x3F98];
	s0 =	simm.s32 @p0 $0x1  }
0x13: {  	[smem:$0x3FB3] =	sst s0;
	s0 =	simm.s32 @!p1 $0x0  }
0x14: {  	s2 =	sld [smem:$0x3F97];
	s0 =	simm.s32 @p1 $0x1  }
0x15: {  	[smem:$0x3FB4] =	sst s0;
	s0 =	simm.s32 @!p2 $0x0  }
0x16: {  	s3 =	sld [smem:$0x3FDB];
	s0 =	simm.s32 @p2 $0x1  }
0x17: {  	s4 =	simm.s32 $0x1BF5;
	[smem:$0x3FB6] =	sst s0  }
0x18: {  	s0 =	sld [smem:$0x3F99];
	_ =	swait.ge [sflag:s4], $0x0  }
0x19: {  	s7 =	sld [smem:$0x3F9A]  }
0x1a: {  	s8 =	sadd.s32 $0xFFFFE003, lr  }
0x1b: {  	s9 =	sadd.s32 $0xFFFFFEF7, lr;
	s5 =	simm.s32 $0xFFFFFFFF;
	p2 =	slt.u32 s8, $0xFFFFF086  }
0x1c: {  	p1 =	slt.u32 s9, $0xF7A;
	s5 =	simm.s32 @!p2 $0x0  }
0x1d: {  	s5 =	simm.s32 @p1 $0x1;
	p0 =	seq.s32 s7, s2  }
0x1e: {  	s7 =	smul.u32 @!p0 $0xF7A, s2;
	p2 =	seq.s32 @!p0 s5, $0x0  }
0x1f: {  	s9 =	smul.u32 $0xF7A, s1;
	s8 =	simm.s32 @!p0 $0x1BF5;
	p2 =	por !p2, p0  }
0x20: {  	[sflag:s8] =	ssyncset.s32 @!p0 $0xFFFFF086;
	s6 =	sadd.s32 @!p0 s3, s7;
	s7 =	simm.s32 @!p0 $0x108  }
0x21: {  	s3 =	sadd.s32 s3, s9;
	s6 =	sadd.s32 @!p0 $0x88, s6;
	s7 =	simm.s32 @p2 $0x1082  }
0x22: {  	[simem:s7], [sflag:s8] =	dma.local @!p0 [hbm:s6], $0xF7A  }
0x23: {  	s9 =	sor.u32 $0xD0000000, s2;
	s6 =	simm.s32 $0x108;
	_ =	swait.ge @!p0 [sflag:s8], $0x0  }
0x24: {  	s3 =	sadd.s32 $0x88, s3;
	s6 =	simm.s32 @!p1 $0x1082;
	[sflag:s4] =	ssyncset.s32 $0xFFFFF086  }
0x25: {  	[simem:s6], [sflag:s4] =	dma.local [hbm:s3], $0xF7A  }
0x26: {  	[smem:$0x3F9A] =	sst s1;
	(tag) =	ssettag s2;
	_ =	strace s9  }
0x27: {  	s1 =	sld [smem:$0x3FAA]  }
0x28: {  	s2 =	sld [smem:$0x3FAB]  }
0x29: {  	s4 =	sld [smem:$0x3FAD]  }
0x2a: {  	p0 =	seq.s32 s5, $0x0;
	s5 =	sld [smem:$0x3FAE]  }
0x2b: {  	s6 =	sld [smem:$0x3FAF]  }
0x2c: {  	s7 =	sld [smem:$0x3FB0]  }
0x2d: {  	s3 =	simm.s32 $0x108;
	s8 =	sld [smem:$0x3FB1]  }
0x2e: {  	s3 =	simm.s32 @!p0 $0x1082;
	s9 =	sld [smem:$0x3FB2]  }
0x2f: {  	lr =	sadd.s32 s0, s3;
	s0 =	sld [smem:$0x3FA9]  }
0x30: {  	s3 =	sld [smem:$0x3FAC]  }
0x31: {  	[smem:$0x3FB5] =	sst s10  }
0x32: {  	s10 =	sld [smem:$0x3FB3];
	_ =	sdelay $0x3  }
0x33: {  	p0 =	seq.s32 s10, $0x1;
	s10 =	sld [smem:$0x3FB5];
	_ =	sdelay $0x3  }
0x34: {  	[smem:$0x3FB5] =	sst s10  }
0x35: {  	s10 =	sld [smem:$0x3FB4];
	_ =	sdelay $0x3  }
0x36: {  	p1 =	seq.s32 s10, $0x1;
	s10 =	sld [smem:$0x3FB5];
	_ =	sdelay $0x3  }
0x37: {  	[smem:$0x3FB5] =	sst s10  }
0x38: {  	s10 =	sld [smem:$0x3FB6]  }
0x39: {  	_ = 	snop;
	(pc) =	sbr.ind lr, $3  }
0x3a: {  	_ = 	snop  }
0x3b: {  	_ = 	snop  }
0x3c: {  	p2 =	seq.s32 s10, $0x1;
	s10 =	sld [smem:$0x3FB5]  }
0x3d: {  	_ =	shalt  }
0x3e: {  	_ =	shalt  }
0x3f: {  	_ =	shalt  }
0x40: {  	_ =	shalt  }
0x41: {  	_ =	shalt  }
0x42: {  	_ =	shalt  }
0x43: {  	_ =	shalt  }
0x44: {  	_ =	shalt  }
0x45: {  	_ =	shalt  }
0x46: {  	_ =	shalt  }
0x47: {  	_ =	shalt  }
0x48: {  	_ =	shalt  }
0x49: {  	_ =	shalt  }
0x4a: {  	_ =	shalt  }
0x4b: {  	_ =	shalt  }
0x4c: {  	_ =	shalt  }
0x4d: {  	_ =	shalt  }
0x4e: {  	_ =	shalt  }
0x4f: {  	_ =	shalt  }
0x50: {  	_ =	shalt  }
0x51: {  	_ =	shalt  }
0x52: {  	_ =	shalt  }
0x53: {  	_ =	shalt  }
0x54: {  	_ =	shalt  }
0x55: {  	_ =	shalt  }
0x56: {  	_ =	shalt  }
0x57: {  	_ =	shalt  }
0x58: {  	_ =	shalt  }
0x59: {  	_ =	shalt  }
0x5a: {  	_ =	shalt  }
0x5b: {  	_ =	shalt  }
0x5c: {  	_ =	shalt  }
0x5d: {  	_ =	shalt  }
0x5e: {  	_ =	shalt  }
0x5f: {  	_ =	shalt  }
0x60: {  	_ =	shalt  }
0x61: {  	_ =	shalt  }
0x62: {  	_ =	shalt  }
0x63: {  	_ =	shalt  }
0x64: {  	_ =	shalt  }
0x65: {  	_ =	shalt  }
0x66: {  	_ =	shalt  }
0x67: {  	_ =	shalt  }
0x68: {  	_ =	shalt  }
0x69: {  	_ =	shalt  }
0x6a: {  	_ =	shalt  }
0x6b: {  	_ =	shalt  }
0x6c: {  	_ =	shalt  }
0x6d: {  	_ =	shalt  }
0x6e: {  	_ =	shalt  }
0x6f: {  	_ =	shalt  }
0x70: {  	_ =	shalt  }
0x71: {  	_ =	shalt  }
0x72: {  	_ =	shalt  }
0x73: {  	_ =	shalt  }
0x74: {  	_ =	shalt  }
0x75: {  	_ =	shalt  }
0x76: {  	_ =	shalt  }
0x77: {  	_ =	shalt  }
0x78: {  	_ =	shalt  }
0x79: {  	_ =	shalt  }
0x7a: {  	_ =	shalt  }
0x7b: {  	_ =	shalt  }
0x7c: {  	_ =	shalt  }
0x7d: {  	_ =	shalt  }
0x7e: {  	_ =	shalt  }
0x7f: {  	_ =	shalt  }
0x80: {  	_ =	shalt  }
0x81: {  	_ =	shalt  }
0x82: {  	_ =	shalt  }
0x83: {  	_ =	shalt  }
0x84: {  	_ =	shalt  }
0x85: {  	_ =	shalt  }
0x86: {  	_ =	shalt  }
0x87: {  	_ =	shalt  }
.Lfunc_end0:
.L_simem_size_0:
called_computation_lowered:
.L_overlay_start_0:
0x88: {  	s2 =	sld [smem:$0x3FD9]  }
0x89: {  	s3 =	sld [smem:$0x3FFE];
	_ =	sdelay $0x1  }
0x8a: {  	s1 =	srdreg.scid  }
0x8b: {  	s0 =	sand.u32 $0x1, s1  }
0x8c: {  	s17 =	sshll.u32 s0, $0xA;
	s2 =	sadd.s32 s3, s2  }
0x8d: {  	s2 =	sadd.s32 s2, s17  }
0x8e: {  	[smem:$0x3FC1] =	sst s2  }
0x8f: {  	_ = 	snop  }
0x90: {  	s2 =	sld [smem:$0x3FC9]  }
0x91: {  	s18 =	sld [smem:$0x3FC8]  }
0x92: {  	s4 =	sld [smem:$0x3FC7]  }
0x93: {  	s5 =	sld [smem:$0x3FC6]  }
0x94: {  	s6 =	sld [smem:$0x3FC5]  }
0x95: {  	s7 =	sld [smem:$0x3FC4]  }
0x96: {  	s8 =	sld [smem:$0x3FC3];
	(tm) =	ssettm $0x1  }
0x97: {  	s9 =	sld [smem:$0x3FFB];
	_ =	sdelay $0x3  }
0x98: {  	_ =	strace s9  }
0x99: {  	s9 =	sld [smem:$0x3FFC];
	_ =	sdelay $0x3  }
0x9a: {  	_ =	strace s9  }
0x9b: {  	s9 =	sld [smem:$0x3FFD];
	_ =	sdelay $0x3  }
0x9c: {  	_ =	strace s9  }
0x9d: {  	_ =	strace $0x8FFFFFFF  }
0x9e: {  	s19 =	sld [smem:$0x3FDB];
	_ =	sdelay $0x1  }
0x9f: {  	s10 =	simm.s32 $_scs_section_size  }
0xa0: {  	s11 =	simm.s32 $_size__tile_overlayer_lowered;
	s12 =	simm.s32 $_tile_overlayer_lowered  }
0xa1: {  	s22 =	simm.s32 $0x1BFF;
	s21 =	sshll.u32 s12, $0x1;
	s9 =	sadd.s32 s10, s19  }
0xa2: {  	s13 =	simm.s32 $0x0;
	s20 =	sshll.u32 s11, $0x1;
	s11 =	sadd.s32 s21, s9  }
0xa3: {  	[timem:s13], [sflag:s22] =	dma.local [hbm:s11], s20  }
0xa4: {  	_ =	swait.ge [sflag:s22], s20  }
0xa5: {  	s10 =	ssub.s32 $0x0, s20;
	[sflag:s22] =	ssyncset.done $0x0  }
0xa6: {  	[sflag:s22] =	ssyncadd.s32 s10;
	_ =	sdelay $0x1  }
0xa7: {  	s23 =	simm.s32 $0x1B8B  }
0xa8: {  	_ =	swait.ge [sflag:s23], $0x1  }
0xa9: {  	[sflag:s23] =	ssyncset.done $0x0  }
0xaa: {  	s25 =	simm.s32 $0x1B8E;
	s24 =	sld [smem:$0x3FFE];
	[sflag:s23] =	ssyncadd.s32 $0xFFFFFFFF  }
0xab: {  	s26 =	simm.s32 $execute0_lowered;
	[smem:$0x3FD2] =	sst s25  }
0xac: {  	s11 =	sshll.u32 s26, $0x1;
	_ =	strace $0x80000046;
	[dreg:$0x1] =	wrdreg $0xFFFFFFFF  }
0xad: {  	s28 =	simm.s32 $_size_execute0_lowered;
	s9 =	sadd.s32 s9, s11;
	[dreg:$0x0] =	wrdreg $0x0  }
0xae: {  	s11 =	sshll.u32 s28, $0x1;
	[dreg:$0x2] =	wrdreg s9  }
0xaf: {  	[dreg:$0x3] =	wrdreg s11  }
0xb0: {  	[dreg:$0x4] =	wrdreg $0xC0  }
0xb1: {  	_ =	task [dreg:s13], $0x5FFFF  }
0xb2: {  	[dreg:$0x1] =	wrdreg $0xFFFFFFFF  }
0xb3: {  	[dreg:$0x0] =	wrdreg $0x60  }
0xb4: {  	[dreg:$0x2] =	wrdreg s2  }
0xb5: {  	[dreg:$0x3] =	wrdreg s18  }
0xb6: {  	[dreg:$0x4] =	wrdreg s7  }
0xb7: {  	[dreg:$0x5] =	wrdreg s4  }
0xb8: {  	[dreg:$0x6] =	wrdreg s5  }
0xb9: {  	[dreg:$0x7] =	wrdreg s6  }
0xba: {  	[dreg:$0x8] =	wrdreg s8  }
0xbb: {  	[dreg:$0x9] =	wrdreg s24  }
0xbc: {  	[dreg:$0xa] =	wrdreg $0x9  }
0xbd: {  	_ =	task.clear_ibuf [dreg:s13], $0xBFFFF;
	_ =	strace $0x90000046  }
0xbe: {  	s29 =	simm.s32 $0x9;
	_ =	strace $0x80000048  }
0xbf: {  	_ =	swait.ge [sflag:s29], $0x1  }
0xc0: {  	[sflag:s29] =	ssyncadd.s32 $0xFFFFFFFF  }
0xc1: {  	_ =	strace $0x90000048  }
0xc2: {  	_ =	sfence  }
0xc3: {  	s30 =	sld [smem:$0x0];
	_ =	sdelay $0x2  }
0xc4: {  	s31 =	sshll.u32 s1, $0xD;
	s1 =	sshrl.u32 s1, $0x2  }
0xc5: {  	s3 =	sand.u32 $0x4000, s31;
	s1 =	sadd.s32 s1, s30  }
0xc6: {  	s0 =	sor.u32 s3, s0;
	s1 =	sshll.u32 s1, $0x11  }
0xc7: {  	s0 =	sor.u32 s1, s0  }
0xc8: {  	s0 =	sadd.s32 $0x8F2B, s0  }
0xc9: {  	[sflag:s0] =	ssyncadd.remote.s32 $0x1  }
0xca: {  	_ =	sfence.sel $0xFFFF  }
0xcb: {  	[dreg:$0x0] =	wrdreg $0xFFFFFFFF;
	(pc) =	sbr.abs _section_cstart, $3  }
0xcc: {  	[dreg:$0x1] =	wrdreg $0xFFFFFFFF  }
0xcd: {  	_ =	task.clear_ibuf [dreg:s13], $0x2FFFF;
	_ =	strace $0x9FFFFFFF  }
0xce: {  	(tm) =	ssettm $0x7FFFFFFF  }
0xcf: {  	_ =	shalt  }
tec
execute0_lowered:
.L_overlay_start_1:
0x0: {  	(tag) =	ssettag $0x1  }
0x1: {  	s0 =	rddreg [dreg:$0x0]  }
0x2: {  	s1 =	rddreg [dreg:$0x1]  }
0x3: {  	s3 =	rddreg [dreg:$0x2]  }
0x4: {  	s4 =	rddreg [dreg:$0x3]  }
0x5: {  	s5 =	rddreg [dreg:$0x4]  }
0x6: {  	s6 =	rddreg [dreg:$0x5]  }
0x7: {  	s7 =	rddreg [dreg:$0x6]  }
0x8: {  	s10 =	rddreg [dreg:$0x7]  }
0x9: {  	s2 =	rddreg [dreg:$0x8];
	s11 =	srdreg.scid  }
0xa: {  	s9 =	simm.s32 $0x0;
	s8 =	stileid.u32;
	s15 =	simm.s32 $0x100  }
0xb: {  	s16 =	simm.s32 $0x180;
	s17 =	simm.s32 $0x4000;
	s18 =	simm.s32 $0x7E80  }
0xc: {  	s19 =	simm.s32 $0xBD00;
	s20 =	simm.s32 $0x0;
	s11 =	sand.u32 $0x1, s11  }
0xd: {  	[smem:$0x7FF] =	sst s9;
	s13 =	sshll.u32 s8, $0x1;
	s12 =	ssub.s32 $0x2, s11  }
0xe: {  	s10 =	sadd.s32 $0xA00, s10;
	_ =	strace $0x80000047;
	s14 =	sshrl.u32 s12, $0x1  }
0xf: {  	s11 =	sor.u32 s11, s13;
	s13 =	simm.s32 $0x1;
	s12 =	ssub.s32 s12, s14  }
0x10: {  	s11 =	smul.u32 $0x13880, s11;
	s14 =	simm.s32 $0x80;
	s12 =	smax.u32 s12, $0x1  }
.LBB2_1:
0x11: {  	[tilespmem:s9], [sflag:$0x1] =	stream.linear.gather [hbm4b:s0+s9], $0x80, $0x38;
	[tilespmem:$0xFB80] =	vst v63  }
0x12: {  	_ =	swait.ge [sflag:s13], $0x80  }
0x13: {  	[sflag:s13] =	ssyncset.done $0x0  }
0x14: {  	[sflag:s13] =	ssyncadd.s32 $0xFFFFFF80  }
0x15: {  	[tilespmem:s14], [sflag:$0x1] =	stream.linear.gather [hbm4b:s1+s9], $0x80, $0x38;
	[tilespmem:$0xFB80] =	vst v63  }
0x16: {  	_ =	swait.ge [sflag:s13], $0x80  }
0x17: {  	[sflag:s13] =	ssyncset.done $0x0  }
0x18: {  	[sflag:s13] =	ssyncadd.s32 $0xFFFFFF80  }
0x19: {  	[tilespmem:s15], [sflag:$0x1] =	stream.linear.gather [hbm4b:s3+s9], $0x80, $0x38;
	[tilespmem:$0xFB80] =	vst v63  }
0x1a: {  	_ =	swait.ge [sflag:s13], $0x80  }
0x1b: {  	[sflag:s13] =	ssyncset.done $0x0  }
0x1c: {  	[sflag:s13] =	ssyncadd.s32 $0xFFFFFF80  }
0x1d: {  	v0 =	vld [tilespmem:$0x0]  }
0x1e: {  	v1 =	vld [tilespmem:$0x80]  }
0x1f: {  	v2 =	vld [tilespmem:$0x100]  }
0x20: {  	v3 =	vld [tilespmem:$0x90]  }
0x21: {  	v4 =	vld [tilespmem:$0xA0]  }
0x22: {  	v5 =	vld [tilespmem:$0xB0]  }
0x23: {  	v6 =	vld [tilespmem:$0xC0]  }
0x24: {  	v7 =	vld [tilespmem:$0xD0];
	v1 =	vmul.f32 $1.442695020e+00, v1  }
0x25: {  	v8 =	vld [tilespmem:$0xE0];
	v3 =	vmul.f32 $1.442695020e+00, v3  }
0x26: {  	(erf) = vpow2.f32 v1;
	v1 =	vmul.f32 $1.442695020e+00, v4;
	v4 =	vld [tilespmem:$0xF0]  }
0x27: {  	v9 =	vld [tilespmem:$0x10];
	(erf) = vpow2.f32 v3;
	v3 =	vmul.f32 $1.442695020e+00, v5  }
0x28: {  	v10 =	vld [tilespmem:$0x40];
	(erf) = vpow2.f32 v1;
	v1 =	vmul.f32 $1.442695020e+00, v6  }
0x29: {  	v11 =	vld [tilespmem:$0x50];
	(erf) = vpow2.f32 v3;
	v3 =	vmul.f32 $1.442695020e+00, v7  }
0x2a: {  	v13 =	vld [tilespmem:$0x150];
	(erf) = vpow2.f32 v1;
	v1 =	vmul.f32 $1.442695020e+00, v8  }
0x2b: {  	v15 =	vld [tilespmem:$0x160];
	(erf) = vpow2.f32 v3;
	v3 =	vmul.f32 $1.442695020e+00, v4  }
0x2c: {  	v17 =	vld [tilespmem:$0x170];
	(erf) = vpow2.f32 v1  }
0x2d: {  	v7 =	vld [tilespmem:$0x120];
	(erf) = vpow2.f32 v3  }
0x2e: {  	v5 =	vld [tilespmem:$0x110]  }
0x2f: {  	v6 =	vld [tilespmem:$0x20];
	v1 =	vpop (erf)  }
0x30: {  	v4 =	vld [tilespmem:$0x130];
	v12 =	vpop (erf)  }
0x31: {  	v3 =	vld [tilespmem:$0x140];
	v14 =	vpop (erf)  }
0x32: {  	v8 =	vld [tilespmem:$0x30];
	v16 =	vpop (erf);
	v7 =	vmul.f32 v14, v7  }
0x33: {  	v62 =	vld [tilespmem:$0x60];
	v1 =	vmul.f32 v1, v2;
	v2 =	vmul.f32 v12, v5;
	v18 =	vpop (erf)  }
0x34: {  	v63 =	vld [tilespmem:$0x70];
	v5 =	vpop (erf)  }
0x35: {  	v0 =	vadd.f32 v1, v0;
	v1 =	vadd.f32 v2, v9;
	v4 =	vmul.f32 v16, v4;
	v19 =	vpop (erf)  }
0x36: {  	v2 =	vadd.f32 v7, v6;
	v6 =	vmul.f32 v18, v3;
	v5 =	vmul.f32 v5, v13;
	v7 =	vpop (erf)  }
0x37: {  	v3 =	vadd.f32 v4, v8;
	v8 =	vmul.f32 v19, v15;
	v7 =	vmul.f32 v7, v17  }
0x38: {  	v4 =	vadd.f32 v6, v10;
	v5 =	vadd.f32 v5, v11  }
0x39: {  	s21 =	simm.s32 $0x0;
	v6 =	vadd.f32 v8, v62;
	v7 =	vadd.f32 v7, v63  }
.LBB2_2:
0x3a: {  	s22 =	smul.u32 $0x3E80, s21;
	_ =	sdelay $0x1  }
0x3b: {  	s22 =	sadd.s32 s11, s22  }
0x3c: {  	s22 =	sshrl.u32 s22, $0x3  }
0x3d: {  	s24 =	simm.s32 $0x0;
	s23 =	sadd.s32 s4, s22  }
0x3e: {  	[tilespmem:s16], [sflag:$0x1] =	stream.linear.gather [hbm4b:s23+s24], $0x3E80, $0x38;
	[tilespmem:$0xFB80] =	vst v63  }
0x3f: {  	_ =	swait.ge [sflag:s13], $0x3E80  }
0x40: {  	[sflag:s13] =	ssyncset.done $0x0  }
0x41: {  	s29 =	sadd.s32 s5, s22;
	[sflag:s13] =	ssyncadd.s32 $0xFFFFC180  }
0x42: {  	[tilespmem:s17], [sflag:$0x1] =	stream.linear.gather [hbm4b:s29+s24], $0x3E80, $0x38;
	[tilespmem:$0xFB80] =	vst v63  }
0x43: {  	_ =	swait.ge [sflag:s13], $0x3E80  }
0x44: {  	[sflag:s13] =	ssyncset.done $0x0  }
0x45: {  	s30 =	sadd.s32 s6, s22;
	[sflag:s13] =	ssyncadd.s32 $0xFFFFC180  }
0x46: {  	[tilespmem:s18], [sflag:$0x1] =	stream.linear.gather [hbm4b:s30+s24], $0x3E80, $0x38;
	[tilespmem:$0xFB80] =	vst v63  }
0x47: {  	_ =	swait.ge [sflag:s13], $0x3E80  }
0x48: {  	[sflag:s13] =	ssyncset.done $0x0  }
0x49: {  	s31 =	sadd.s32 s7, s22;
	[sflag:s13] =	ssyncadd.s32 $0xFFFFC180  }
0x4a: {  	[tilespmem:s19], [sflag:$0x1] =	stream.linear.gather [hbm4b:s31+s24], $0x3E80, $0x38;
	[tilespmem:$0xFB80] =	vst v63  }
0x4b: {  	_ =	swait.ge [sflag:s13], $0x3E80  }
0x4c: {  	[sflag:s13] =	ssyncset.done $0x0  }
0x4d: {  	s23 =	simm.s32 $0x0;
	[sflag:s13] =	ssyncadd.s32 $0xFFFFC180  }
0x4e: {  	v15 =	vld [tilespmem:s23+$0x4000]  }
0x4f: {  	v14 =	vld [tilespmem:s23+$0x4010]  }
0x50: {  	v13 =	vld [tilespmem:s23+$0x4020]  }
0x51: {  	v12 =	vld [tilespmem:s23+$0x4030]  }
0x52: {  	v11 =	vld [tilespmem:s23+$0x4040]  }
0x53: {  	v10 =	vld [tilespmem:s23+$0x4050]  }
0x54: {  	v9 =	vld [tilespmem:s23+$0x4060]  }
0x55: {  	v8 =	vld [tilespmem:s23+$0x4070]  }
0x56: {  	v19 =	vld [tilespmem:s23+$0x180]  }
0x57: {  	v18 =	vld [tilespmem:s23+$0x190]  }
0x58: {  	v16 =	vld [tilespmem:s23+$0x1A0]  }
0x59: {  	v17 =	vld [tilespmem:s23+$0x1B0]  }
0x5a: {  	v20 =	vld [tilespmem:s23+$0x7E80]  }
0x5b: {  	v25 =	vld [tilespmem:s23+$0x7E90]  }
0x5c: {  	v24 =	vld [tilespmem:s23+$0x7EA0]  }
0x5d: {  	v23 =	vld [tilespmem:s23+$0x7EB0]  }
0x5e: {  	v22 =	vld [tilespmem:s23+$0x7EC0]  }
0x5f: {  	v21 =	vld [tilespmem:s23+$0x7ED0];
	v26 =	vmul.f32 $1.442695020e+00, v20  }
0x60: {  	s24 =	simm.s32 $0x200;
	v25 =	vmul.f32 $1.442695020e+00, v25;
	v20 =	vld [tilespmem:s23+$0x7EE0]  }
.LBB2_3:
0x61: {  	p0 =	sne.s32 s24, $0xF800;
	v24 =	vmul.f32 $1.442695020e+00, v24;
	v27 =	vld [tilespmem:s23+$0x7EF0];
	(erf) = vpow2.f32 v26  }
0x62: {  	v23 =	vmul.f32 $1.442695020e+00, v23;
	v26 =	vld [tilespmem:s23+$0x1C0];
	(erf) = vpow2.f32 v25  }
0x63: {  	v22 =	vmul.f32 $1.442695020e+00, v22;
	v25 =	vld [tilespmem:s23+$0x1D0];
	(erf) = vpow2.f32 v24  }
0x64: {  	v21 =	vmul.f32 $1.442695020e+00, v21;
	v24 =	vld [tilespmem:s23+$0x1E0];
	(erf) = vpow2.f32 v23  }
0x65: {  	v20 =	vmul.f32 $1.442695020e+00, v20;
	v23 =	vld [tilespmem:s23+$0x1F0];
	(erf) = vpow2.f32 v22  }
0x66: {  	v22 =	vld [tilespmem:s23+$0xBD00];
	v27 =	vmul.f32 $1.442695020e+00, v27;
	(erf) = vpow2.f32 v21  }
0x67: {  	v19 =	vmul.f32 v19, v0;
	v21 =	vld [tilespmem:s23+$0xBD10];
	(erf) = vpow2.f32 v20  }
0x68: {  	v18 =	vmul.f32 v18, v1;
	v20 =	vld [tilespmem:s23+$0xBD20];
	(erf) = vpow2.f32 v27  }
0x69: {  	v16 =	vmul.f32 v16, v2;
	v17 =	vmul.f32 v17, v3;
	v27 =	vld [tilespmem:s23+$0xBD30]  }
0x6a: {  	v26 =	vmul.f32 v26, v4;
	v25 =	vmul.f32 v25, v5;
	v28 =	vld [tilespmem:s23+$0xBD40];
	v29 =	vpop (erf)  }
0x6b: {  	v15 =	vadd.f32 v15, v19;
	v24 =	vmul.f32 v24, v6;
	v19 =	vmul.f32 v29, v22;
	v22 =	vld [tilespmem:s23+$0xBD50];
	v29 =	vpop (erf)  }
0x6c: {  	v14 =	vadd.f32 v14, v18;
	v23 =	vmul.f32 v23, v7;
	v18 =	vmul.f32 v29, v21;
	v21 =	vld [tilespmem:s23+$0xBD60];
	v29 =	vpop (erf)  }
0x6d: {  	s25 =	sshra.s32 s24, $0x2;
	v13 =	vadd.f32 v13, v16;
	v19 =	vadd.f32 v19, v15;
	v16 =	vmul.f32 v29, v20;
	v20 =	vld [tilespmem:s23+$0xBD70];
	v29 =	vpop (erf)  }
0x6e: {  	v12 =	vadd.f32 v12, v17;
	v15 =	vld [tilespmem:s25+$0x4000];
	v18 =	vadd.f32 v18, v14;
	v17 =	vmul.f32 v29, v27;
	v27 =	vpop (erf)  }
0x6f: {  	v11 =	vadd.f32 v11, v26;
	v14 =	vld [tilespmem:s25+$0x4010];
	[tilespmem:s23+$0xBD00] =	vst v19;
	v16 =	vadd.f32 v16, v13;
	v19 =	vmul.f32 v27, v28;
	v26 =	vpop (erf)  }
0x70: {  	v10 =	vadd.f32 v10, v25;
	v13 =	vld [tilespmem:s25+$0x4020];
	[tilespmem:s23+$0xBD10] =	vst v18;
	v17 =	vadd.f32 v17, v12;
	v18 =	vmul.f32 v26, v22;
	v22 =	vpop (erf)  }
0x71: {  	v9 =	vadd.f32 v9, v24;
	v12 =	vld [tilespmem:s25+$0x4030];
	[tilespmem:s23+$0xBD20] =	vst v16;
	v16 =	vadd.f32 v19, v11;
	v19 =	vmul.f32 v22, v21;
	v21 =	vpop (erf)  }
0x72: {  	v8 =	vadd.f32 v8, v23;
	v11 =	vld [tilespmem:s25+$0x4040];
	[tilespmem:s23+$0xBD30] =	vst v17;
	v17 =	vadd.f32 v18, v10;
	v18 =	vmul.f32 v21, v20  }
0x73: {  	v10 =	vld [tilespmem:s25+$0x4050];
	[tilespmem:s23+$0xBD40] =	vst v16;
	v16 =	vadd.f32 v19, v9  }
0x74: {  	v9 =	vld [tilespmem:s25+$0x4060];
	[tilespmem:s23+$0xBD50] =	vst v17;
	v17 =	vadd.f32 v18, v8  }
0x75: {  	v8 =	vld [tilespmem:s25+$0x4070];
	[tilespmem:s23+$0xBD60] =	vst v16  }
0x76: {  	v19 =	vld [tilespmem:s25+$0x180];
	[tilespmem:s23+$0xBD70] =	vst v17;
	s23 =	smov.u32 s25  }
0x77: {  	v18 =	vld [tilespmem:s23+$0x190]  }
0x78: {  	v16 =	vld [tilespmem:s23+$0x1A0]  }
0x79: {  	v17 =	vld [tilespmem:s23+$0x1B0]  }
0x7a: {  	v20 =	vld [tilespmem:s23+$0x7E80]  }
0x7b: {  	v25 =	vld [tilespmem:s23+$0x7E90]  }
.Ltmp0:
0x7c: {  	v24 =	vld [tilespmem:s23+$0x7EA0];
	(pc) =	sbr.rel @p0 .LBB2_3-.Ltmp0, $4  }
0x7d: {  	v23 =	vld [tilespmem:s23+$0x7EB0]  }
0x7e: {  	v22 =	vld [tilespmem:s23+$0x7EC0]  }
0x7f: {  	v26 =	vmul.f32 $1.442695020e+00, v20;
	v21 =	vld [tilespmem:s23+$0x7ED0]  }
0x80: {  	s24 =	sadd.s32 $0x200, s24;
	v25 =	vmul.f32 $1.442695020e+00, v25;
	v20 =	vld [tilespmem:s23+$0x7EE0]  }
0x81: {  	v24 =	vmul.f32 $1.442695020e+00, v24;
	v27 =	vld [tilespmem:s23+$0x7EF0];
	(erf) = vpow2.f32 v26  }
0x82: {  	v38 =	vld [tilespmem:s23+$0x1C0];
	v23 =	vmul.f32 $1.442695020e+00, v23;
	(erf) = vpow2.f32 v25  }
0x83: {  	v39 =	vld [tilespmem:s23+$0x1D0];
	v22 =	vmul.f32 $1.442695020e+00, v22;
	(erf) = vpow2.f32 v24  }
0x84: {  	v40 =	vld [tilespmem:s23+$0x1E0];
	v21 =	vmul.f32 $1.442695020e+00, v21;
	(erf) = vpow2.f32 v23  }
0x85: {  	v41 =	vld [tilespmem:s23+$0x1F0];
	v20 =	vmul.f32 $1.442695020e+00, v20;
	(erf) = vpow2.f32 v22  }
0x86: {  	v42 =	vld [tilespmem:s23+$0xBD00];
	v27 =	vmul.f32 $1.442695020e+00, v27;
	(erf) = vpow2.f32 v21  }
0x87: {  	v19 =	vmul.f32 v19, v0;
	v43 =	vld [tilespmem:s23+$0xBD10];
	(erf) = vpow2.f32 v20  }
0x88: {  	v18 =	vmul.f32 v18, v1;
	v44 =	vld [tilespmem:s23+$0xBD20];
	(erf) = vpow2.f32 v27  }
0x89: {  	v16 =	vmul.f32 v16, v2;
	v45 =	vld [tilespmem:s23+$0xBD30]  }
0x8a: {  	v17 =	vmul.f32 v17, v3;
	v28 =	vld [tilespmem:s23+$0xBD40];
	v15 =	vadd.f32 v15, v19;
	v14 =	vadd.f32 v14, v18;
	v29 =	vpop (erf)  }
0x8b: {  	v47 =	vld [tilespmem:s23+$0xBD50];
	v13 =	vadd.f32 v13, v16;
	v26 =	vmul.f32 v38, v4;
	v46 =	vmul.f32 v29, v42;
	v48 =	vpop (erf)  }
0x8c: {  	v50 =	vld [tilespmem:s23+$0xBD60];
	v12 =	vadd.f32 v12, v17;
	v25 =	vmul.f32 v39, v5;
	v49 =	vmul.f32 v48, v43;
	v51 =	vpop (erf)  }
0x8d: {  	v53 =	vld [tilespmem:s23+$0xBD70];
	v24 =	vmul.f32 v40, v6;
	v15 =	vadd.f32 v46, v15;
	v52 =	vmul.f32 v51, v44;
	v54 =	vpop (erf)  }
0x8e: {  	v23 =	vmul.f32 v41, v7;
	v14 =	vadd.f32 v49, v14;
	v55 =	vmul.f32 v54, v45;
	v56 =	vpop (erf)  }
0x8f: {  	v11 =	vadd.f32 v11, v26;
	[tilespmem:s23+$0xBD00] =	vst v15;
	v13 =	vadd.f32 v52, v13;
	v57 =	vmul.f32 v56, v28;
	v58 =	vpop (erf)  }
0x90: {  	v10 =	vadd.f32 v10, v25;
	[tilespmem:s23+$0xBD10] =	vst v14;
	v12 =	vadd.f32 v55, v12;
	v59 =	vmul.f32 v58, v47;
	v60 =	vpop (erf)  }
0x91: {  	v9 =	vadd.f32 v9, v24;
	[tilespmem:s23+$0xBD20] =	vst v13;
	v11 =	vadd.f32 v57, v11;
	v61 =	vmul.f32 v60, v50;
	v62 =	vpop (erf)  }
0x92: {  	v8 =	vadd.f32 v8, v23;
	[tilespmem:s23+$0xBD30] =	vst v12;
	v10 =	vadd.f32 v59, v10;
	v63 =	vmul.f32 v62, v53  }
0x93: {  	[tilespmem:s23+$0xBD40] =	vst v11;
	v9 =	vadd.f32 v61, v9  }
0x94: {  	s21 =	sadd.s32 $0x1, s21;
	[tilespmem:s23+$0xBD50] =	vst v10;
	v8 =	vadd.f32 v63, v8  }
0x95: {  	p0 =	sne.s32 s21, $0x5;
	[tilespmem:s23+$0xBD60] =	vst v9  }
.Ltmp1:
0x96: {  	s22 =	sadd.s32 s10, s22;
	[tilespmem:s23+$0xBD70] =	vst v8;
	(pc) =	sbr.rel @p0 .LBB2_2-.Ltmp1, $4  }
0x97: {  	[hbm4b:s22+s9] =	stream.linear.scatter [tilespmem:s19], [sflag:$0x1], $0x3E80, $0x38;
	[tilespmem:$0xFB80] =	vst v63  }
0x98: {  	_ =	swait.ge [sflag:s13], $0x3E80  }
0x99: {  	[sflag:s13] =	ssyncset.done $0x0  }
0x9a: {  	[sflag:s13] =	ssyncadd.s32 $0xFFFFC180  }
0x9b: {  	s20 =	sadd.s32 $0x1, s20  }
0x9c: {  	p0 =	sne.s32 s20, s12  }
.Ltmp2:
0x9d: {  	_ = 	snop;
	(pc) =	sbr.rel @p0 .LBB2_1-.Ltmp2, $1  }
0x9e: {  	_ =	sdelay $0x3  }
0x9f: {  	_ =	sfence.sel $0x180000  }
0xa0: {  	[bflag:$0x0] =	sbarrier.arrive $0xFFFF  }
0xa1: {  	p0 =	sne.s32 s8, $0x0;
	_ =	strace $0x90000047  }
0xa2: {  	s0 =	sadd.s32 @!p0 $0x100000, s2;
	[bflag:$0x2] =	sbarrier.arrive $0xFFFF  }
0xa3: {  	[sflag:s0] =	ssyncadd.tile.s32 @!p0 $0x1;
	_ =	shalt  }
.Lfunc_end2:
_tile_overlayer_lowered:
.L_overlay_start_2:
0xa4: {  	(tag) =	ssettag $0x2  }
0xa5: {  	s0 =	rddreg [dreg:$0x0];
	s2 =	stileid.u32  }
0xa6: {  	s1 =	rddreg [dreg:$0x1];
	p0 =	sne.s32 s2, $0x0  }
0xa7: {  	s3 =	rddreg [dreg:$0x2];
	[bflag:$0x3] =	sbarrier.arrive $0xFFFF;
	s2 =	simm.s32 @!p0 $0x1C01  }
0xa8: {  	[timem:s3], [sflag:s2] =	dma.local @!p0 [hbm:s0], s1  }
0xa9: {  	s0 =	simm.s32 @!p0 $0x1  }
0xaa: {  	_ =	swait.ge @!p0 [sflag:s0], s1  }
0xab: {  	s1 =	ssub.s32 @!p0 $0x0, s1;
	[sflag:s0] =	ssyncset.done @!p0 $0x0  }
0xac: {  	[sflag:s0] =	ssyncadd.s32 @!p0 s1  }
0xad: {  	[bflag:$0x3] =	sbarrier.arrive $0xFFFF  }
0xae: {  	_ =	shalt  }

</sc_bundles>
